<compile_context>
chip_gen: v7x
topology: tpu7x:2x2x1
jax: 0.10.2.dev20260603
libtpu: 0.0.44.dev20260713+nightly
codegen_flags: <defaults>
</compile_context>

<pallas_src>
import functools

import jax
import jax.numpy as jnp
from jax import lax
from jax.experimental import pallas as pl
from jax.experimental.pallas import tpu as pltpu
from jax.experimental.pallas import tpu_sc as plsc

NUM_CLASSES = 1000
BATCH = 16384
LANES = 16
NUM_WORKERS = 32
COLS_PER_W = BATCH // NUM_WORKERS
CHUNK_COLS = 128
NCHUNKS = COLS_PER_W // CHUNK_COLS

_mesh = plsc.VectorSubcoreMesh(core_axis_name="c", subcore_axis_name="s")


@functools.partial(
    pl.kernel,
    out_type=jax.ShapeDtypeStruct((NUM_CLASSES, BATCH), jnp.float32),
    mesh=_mesh,
    scratch_types=[
        pltpu.VMEM((NUM_CLASSES, CHUNK_COLS), jnp.float32),
        pltpu.VMEM((2, CHUNK_COLS), jnp.int32),
        pltpu.SemaphoreType.DMA,
        pltpu.SemaphoreType.DMA,
        pltpu.SemaphoreType.DMA,
    ],
)
def _onehot_body(labels_hbm, out_hbm, tmpl, lab2, sem, sem2, lab_sem):
    cid = lax.axis_index("c")
    sid = lax.axis_index("s")
    col0 = (cid * (NUM_WORKERS // 2) + sid) * COLS_PER_W

    def load_labels(c):
        pltpu.async_copy(
            labels_hbm.at[pl.ds(col0 + c * CHUNK_COLS, CHUNK_COLS)],
            lab2.at[c % 2], lab_sem)

    def wait_labels(c):
        pltpu.make_async_copy(
            labels_hbm.at[pl.ds(col0 + c * CHUNK_COLS, CHUNK_COLS)],
            lab2.at[c % 2], lab_sem).wait()

    load_labels(0)

    minus_ten = jnp.full((LANES,), -10.0, jnp.float32)
    iota16 = lax.iota(jnp.int32, LANES)

    def fill_row(r, carry):
        for g in range(CHUNK_COLS // LANES):
            tmpl[r, pl.ds(g * LANES, LANES)] = minus_ten
        return carry
    lax.fori_loop(0, NUM_CLASSES, fill_row, 0, unroll=4)

    def place(c):
        def group(g, carry):
            goff = pl.multiple_of(g * LANES, LANES)
            lab16 = lab2[c % 2, pl.ds(goff, LANES)]
            for e in range(LANES):
                rt = lab16[e]
                old = tmpl[rt, pl.ds(goff, LANES)]
                tmpl[rt, pl.ds(goff, LANES)] = jnp.where(
                    iota16 == e, jnp.float32(10.0), old)
            return carry
        lax.fori_loop(0, CHUNK_COLS // LANES, group, 0)

    def restore(c):
        def group(g, carry):
            goff = pl.multiple_of(g * LANES, LANES)
            lab16 = lab2[c % 2, pl.ds(goff, LANES)]
            for e in range(LANES):
                tmpl[lab16[e], pl.ds(goff, LANES)] = minus_ten
            return carry
        lax.fori_loop(0, CHUNK_COLS // LANES, group, 0)

    def fire(c):
        pltpu.async_copy(
            tmpl,
            out_hbm.at[:, pl.ds(col0 + c * CHUNK_COLS, CHUNK_COLS)],
            sem)

    def drain():
        pltpu.make_async_copy(
            tmpl, out_hbm.at[:, pl.ds(0, CHUNK_COLS)], sem).wait()

    def chunk_body(c, carry):
        @pl.when(c > 0)
        def _drain_and_restore():
            drain()
            restore(c - 1)

        wait_labels(c)
        place(c)
        fire(c)

        @pl.when(c + 1 < NCHUNKS)
        def _prefetch():
            load_labels(c + 1)

        return carry

    lax.fori_loop(0, NCHUNKS, chunk_body, 0)

    drain()


def kernel(input_ids, dummy):
    labels = input_ids[:, 0].astype(jnp.int32)
    return _onehot_body(labels).T

# --- scband reference (transcript-rebuilt; emitter-appended) ---
"""Pipeline reference for scband-label-echo-classifier-83854941487346 (READ-ONLY COPY).

The authoritative reference and input builder live on the scoring server;
editing this copy changes nothing except your own understanding.
"""

import jax, jax.numpy as jnp
import numpy as np

NUM_CLASSES = 1000
BATCH = 16384
SEQ = 20

def setup_inputs(seed: int = 0) -> dict:
    key = jax.random.key(seed)
    k1, k2 = jax.random.split(key)
    input_ids = jax.random.randint(k1, (BATCH, SEQ), 0, NUM_CLASSES, dtype=jnp.int64)
    dummy = jnp.zeros((1,), dtype=jnp.float32)
    return {"input_ids": input_ids, "dummy": dummy}

def reference(input_ids, dummy):
    labels = input_ids[:, 0]
    bsz = labels.shape[0]
    logits = jnp.full((bsz, NUM_CLASSES), -10.0, dtype=jnp.float32)
    # scatter-overwrite: logits[i, labels[i]] = 10.0
    logits = logits.at[jnp.arange(bsz), labels].set(10.0)
    return logits

if __name__ == "__main__":
    import jax
    _d = setup_inputs()
    print(jax.jit(kernel)(*tuple(_d.values())))

</pallas_src>

<mosaic_0001>
#map = affine_map<(d0, d1) -> (0)>
#map1 = affine_map<(d0, d1) -> (0, 0)>
module attributes {stable_mosaic.version = 14 : i64} {
  func.func @_onehot_body(%arg0: i32, %arg1: i32, %arg2: memref<16384xi32, #tpu.memory_space<hbm>>, %arg3: memref<1000x16384xf32, #tpu.memory_space<hbm>>, %arg4: memref<1000x128xf32, #tpu.memory_space<vmem>>, %arg5: memref<2x128xi32, #tpu.memory_space<vmem>>, %arg6: memref<!tpu.dma_semaphore, #tpu.memory_space<semaphore_mem>>, %arg7: memref<!tpu.dma_semaphore, #tpu.memory_space<semaphore_mem>>, %arg8: memref<!tpu.dma_semaphore, #tpu.memory_space<semaphore_mem>>) attributes {dimension_semantics = [#tpu.dimension_semantics<core_parallel>, #tpu.dimension_semantics<subcore_parallel>], iteration_bounds = array<i64: 2, 16>, scalar_prefetch = 0 : i64, scratch_operands = 5 : i64, tpu.core_type = #tpu.core_type<sc_vector_subcore>, window_params = [{transform_indices = #map}, {transform_indices = #map1}]} {
    %mul3A = arith.constant 16 : i32
    %mul3A_0 = arith.muli %arg0, %mul3A : i32
    %add3A = arith.addi %mul3A_0, %arg1 : i32
    %mul3A_1 = arith.constant 512 : i32
    %mul3A_2 = arith.muli %add3A, %mul3A_1 : i32
    %add3A_3 = arith.constant 0 : i32
    %add3A_4 = arith.addi %mul3A_2, %add3A_3 : i32
    %dma_start3A = arith.constant 0 : i32
    %dma_start3A_5 = arith.constant 0 : i32
    %dma_start3A_6 = tpu.memref_slice %arg5[%dma_start3A, %dma_start3A_5] : memref<2x128xi32, #tpu.memory_space<vmem>> -> memref<1x128xi32, #tpu.memory_space<vmem>>
    %dma_start3A_7 = tpu.memref_squeeze %dma_start3A_6 : memref<1x128xi32, #tpu.memory_space<vmem>> -> memref<128xi32, #tpu.memory_space<vmem>>
    %dma_start3A_8 = tpu.memref_slice %arg2[%add3A_4] : memref<16384xi32, #tpu.memory_space<hbm>> -> memref<128xi32, #tpu.memory_space<hbm>>
    %dma_start3A_9 = arith.constant 0 : i32
    %dma_start3A_10 = tpu.memref_slice %arg5[%dma_start3A, %dma_start3A_9] : memref<2x128xi32, #tpu.memory_space<vmem>> -> memref<1x128xi32, #tpu.memory_space<vmem>>
    %dma_start3A_11 = tpu.memref_squeeze %dma_start3A_10 : memref<1x128xi32, #tpu.memory_space<vmem>> -> memref<128xi32, #tpu.memory_space<vmem>>
    %dma_start3A_12 = tpu.memref_slice %arg2[%add3A_4] : memref<16384xi32, #tpu.memory_space<hbm>> -> memref<128xi32, #tpu.memory_space<hbm>>
    tpu.enqueue_dma source(%dma_start3A_12 : memref<128xi32, #tpu.memory_space<hbm>>) target(%dma_start3A_11 : memref<128xi32, #tpu.memory_space<vmem>>) target_semaphore(%arg8 : memref<!tpu.dma_semaphore, #tpu.memory_space<semaphore_mem>>)
    %broadcast_in_dim3A = arith.constant -1.000000e+01 : f32
    %broadcast_in_dim3A_13 = vector.broadcast %broadcast_in_dim3A : f32 to vector<16xf32>
    %iota3A = tpu.iota {dimensions = array<i32: 0>} : vector<16xi32>
    %scan3A = arith.constant 0 : i32
    %scan3A_14 = arith.constant 0 : i32
    %scan3A_15 = arith.constant 1000 : i32
    %scan3A_16 = arith.addi %scan3A_14, %scan3A_15 : i32
    %scan3A_17 = arith.constant 4 : i32
    scf.for %scan3A_30 = %scan3A_14 to %scan3A_16 step %scan3A_17  : i32 {
      %swap3A = arith.index_cast %scan3A_30 : i32 to index
      %swap3A_31 = arith.constant 0 : index
      %swap3A_32 = tpu.vector_load %arg4[%swap3A, %swap3A_31] {strides = array<i32>} : memref<1000x128xf32, #tpu.memory_space<vmem>>, vector<1x16xf32>,
      %swap3A_33 = vector.shape_cast %swap3A_32 : vector<1x16xf32> to vector<16xf32>
      %swap3A_34 = vector.shape_cast %broadcast_in_dim3A_13 : vector<16xf32> to vector<1x16xf32>
      tpu.vector_store %arg4[%swap3A, %swap3A_31], %swap3A_34 {strides = array<i32>} : memref<1000x128xf32, #tpu.memory_space<vmem>>, vector<1x16xf32>,
      %swap3A_35 = arith.index_cast %scan3A_30 : i32 to index
      %swap3A_36 = arith.constant 16 : index
      %swap3A_37 = tpu.vector_load %arg4[%swap3A_35, %swap3A_36] {strides = array<i32>} : memref<1000x128xf32, #tpu.memory_space<vmem>>, vector<1x16xf32>,
      %swap3A_38 = vector.shape_cast %swap3A_37 : vector<1x16xf32> to vector<16xf32>
      %swap3A_39 = vector.shape_cast %broadcast_in_dim3A_13 : vector<16xf32> to vector<1x16xf32>
      tpu.vector_store %arg4[%swap3A_35, %swap3A_36], %swap3A_39 {strides = array<i32>} : memref<1000x128xf32, #tpu.memory_space<vmem>>, vector<1x16xf32>,
      %swap3A_40 = arith.index_cast %scan3A_30 : i32 to index
      %swap3A_41 = arith.constant 32 : index
      %swap3A_42 = tpu.vector_load %arg4[%swap3A_40, %swap3A_41] {strides = array<i32>} : memref<1000x128xf32, #tpu.memory_space<vmem>>, vector<1x16xf32>,
      %swap3A_43 = vector.shape_cast %swap3A_42 : vector<1x16xf32> to vector<16xf32>
      %swap3A_44 = vector.shape_cast %broadcast_in_dim3A_13 : vector<16xf32> to vector<1x16xf32>
      tpu.vector_store %arg4[%swap3A_40, %swap3A_41], %swap3A_44 {strides = array<i32>} : memref<1000x128xf32, #tpu.memory_space<vmem>>, vector<1x16xf32>,
      %swap3A_45 = arith.index_cast %scan3A_30 : i32 to index
      %swap3A_46 = arith.constant 48 : index
      %swap3A_47 = tpu.vector_load %arg4[%swap3A_45, %swap3A_46] {strides = array<i32>} : memref<1000x128xf32, #tpu.memory_space<vmem>>, vector<1x16xf32>,
      %swap3A_48 = vector.shape_cast %swap3A_47 : vector<1x16xf32> to vector<16xf32>
      %swap3A_49 = vector.shape_cast %broadcast_in_dim3A_13 : vector<16xf32> to vector<1x16xf32>
      tpu.vector_store %arg4[%swap3A_45, %swap3A_46], %swap3A_49 {strides = array<i32>} : memref<1000x128xf32, #tpu.memory_space<vmem>>, vector<1x16xf32>,
      %swap3A_50 = arith.index_cast %scan3A_30 : i32 to index
      %swap3A_51 = arith.constant 64 : index
      %swap3A_52 = tpu.vector_load %arg4[%swap3A_50, %swap3A_51] {strides = array<i32>} : memref<1000x128xf32, #tpu.memory_space<vmem>>, vector<1x16xf32>,
      %swap3A_53 = vector.shape_cast %swap3A_52 : vector<1x16xf32> to vector<16xf32>
      %swap3A_54 = vector.shape_cast %broadcast_in_dim3A_13 : vector<16xf32> to vector<1x16xf32>
      tpu.vector_store %arg4[%swap3A_50, %swap3A_51], %swap3A_54 {strides = array<i32>} : memref<1000x128xf32, #tpu.memory_space<vmem>>, vector<1x16xf32>,
      %swap3A_55 = arith.index_cast %scan3A_30 : i32 to index
      %swap3A_56 = arith.constant 80 : index
      %swap3A_57 = tpu.vector_load %arg4[%swap3A_55, %swap3A_56] {strides = array<i32>} : memref<1000x128xf32, #tpu.memory_space<vmem>>, vector<1x16xf32>,
      %swap3A_58 = vector.shape_cast %swap3A_57 : vector<1x16xf32> to vector<16xf32>
      %swap3A_59 = vector.shape_cast %broadcast_in_dim3A_13 : vector<16xf32> to vector<1x16xf32>
      tpu.vector_store %arg4[%swap3A_55, %swap3A_56], %swap3A_59 {strides = array<i32>} : memref<1000x128xf32, #tpu.memory_space<vmem>>, vector<1x16xf32>,
      %swap3A_60 = arith.index_cast %scan3A_30 : i32 to index
      %swap3A_61 = arith.constant 96 : index
      %swap3A_62 = tpu.vector_load %arg4[%swap3A_60, %swap3A_61] {strides = array<i32>} : memref<1000x128xf32, #tpu.memory_space<vmem>>, vector<1x16xf32>,
      %swap3A_63 = vector.shape_cast %swap3A_62 : vector<1x16xf32> to vector<16xf32>
      %swap3A_64 = vector.shape_cast %broadcast_in_dim3A_13 : vector<16xf32> to vector<1x16xf32>
      tpu.vector_store %arg4[%swap3A_60, %swap3A_61], %swap3A_64 {strides = array<i32>} : memref<1000x128xf32, #tpu.memory_space<vmem>>, vector<1x16xf32>,
      %swap3A_65 = arith.index_cast %scan3A_30 : i32 to index
      %swap3A_66 = arith.constant 112 : index
      %swap3A_67 = tpu.vector_load %arg4[%swap3A_65, %swap3A_66] {strides = array<i32>} : memref<1000x128xf32, #tpu.memory_space<vmem>>, vector<1x16xf32>,
      %swap3A_68 = vector.shape_cast %swap3A_67 : vector<1x16xf32> to vector<16xf32>
      %swap3A_69 = vector.shape_cast %broadcast_in_dim3A_13 : vector<16xf32> to vector<1x16xf32>
      tpu.vector_store %arg4[%swap3A_65, %swap3A_66], %swap3A_69 {strides = array<i32>} : memref<1000x128xf32, #tpu.memory_space<vmem>>, vector<1x16xf32>,
      %scan3A_70 = arith.constant 1 : i32
      %scan3A_71 = arith.addi %scan3A_30, %scan3A_70 : i32
      %swap3A_72 = arith.index_cast %scan3A_71 : i32 to index
      %swap3A_73 = arith.constant 0 : index
      %swap3A_74 = tpu.vector_load %arg4[%swap3A_72, %swap3A_73] {strides = array<i32>} : memref<1000x128xf32, #tpu.memory_space<vmem>>, vector<1x16xf32>,
      %swap3A_75 = vector.shape_cast %swap3A_74 : vector<1x16xf32> to vector<16xf32>
      %swap3A_76 = vector.shape_cast %broadcast_in_dim3A_13 : vector<16xf32> to vector<1x16xf32>
      tpu.vector_store %arg4[%swap3A_72, %swap3A_73], %swap3A_76 {strides = array<i32>} : memref<1000x128xf32, #tpu.memory_space<vmem>>, vector<1x16xf32>,
      %swap3A_77 = arith.index_cast %scan3A_71 : i32 to index
      %swap3A_78 = arith.constant 16 : index
      %swap3A_79 = tpu.vector_load %arg4[%swap3A_77, %swap3A_78] {strides = array<i32>} : memref<1000x128xf32, #tpu.memory_space<vmem>>, vector<1x16xf32>,
      %swap3A_80 = vector.shape_cast %swap3A_79 : vector<1x16xf32> to vector<16xf32>
      %swap3A_81 = vector.shape_cast %broadcast_in_dim3A_13 : vector<16xf32> to vector<1x16xf32>
      tpu.vector_store %arg4[%swap3A_77, %swap3A_78], %swap3A_81 {strides = array<i32>} : memref<1000x128xf32, #tpu.memory_space<vmem>>, vector<1x16xf32>,
      %swap3A_82 = arith.index_cast %scan3A_71 : i32 to index
      %swap3A_83 = arith.constant 32 : index
      %swap3A_84 = tpu.vector_load %arg4[%swap3A_82, %swap3A_83] {strides = array<i32>} : memref<1000x128xf32, #tpu.memory_space<vmem>>, vector<1x16xf32>,
      %swap3A_85 = vector.shape_cast %swap3A_84 : vector<1x16xf32> to vector<16xf32>
      %swap3A_86 = vector.shape_cast %broadcast_in_dim3A_13 : vector<16xf32> to vector<1x16xf32>
      tpu.vector_store %arg4[%swap3A_82, %swap3A_83], %swap3A_86 {strides = array<i32>} : memref<1000x128xf32, #tpu.memory_space<vmem>>, vector<1x16xf32>,
      %swap3A_87 = arith.index_cast %scan3A_71 : i32 to index
      %swap3A_88 = arith.constant 48 : index
      %swap3A_89 = tpu.vector_load %arg4[%swap3A_87, %swap3A_88] {strides = array<i32>} : memref<1000x128xf32, #tpu.memory_space<vmem>>, vector<1x16xf32>,
      %swap3A_90 = vector.shape_cast %swap3A_89 : vector<1x16xf32> to vector<16xf32>
      %swap3A_91 = vector.shape_cast %broadcast_in_dim3A_13 : vector<16xf32> to vector<1x16xf32>
      tpu.vector_store %arg4[%swap3A_87, %swap3A_88], %swap3A_91 {strides = array<i32>} : memref<1000x128xf32, #tpu.memory_space<vmem>>, vector<1x16xf32>,
      %swap3A_92 = arith.index_cast %scan3A_71 : i32 to index
      %swap3A_93 = arith.constant 64 : index
      %swap3A_94 = tpu.vector_load %arg4[%swap3A_92, %swap3A_93] {strides = array<i32>} : memref<1000x128xf32, #tpu.memory_space<vmem>>, vector<1x16xf32>,
      %swap3A_95 = vector.shape_cast %swap3A_94 : vector<1x16xf32> to vector<16xf32>
      %swap3A_96 = vector.shape_cast %broadcast_in_dim3A_13 : vector<16xf32> to vector<1x16xf32>
      tpu.vector_store %arg4[%swap3A_92, %swap3A_93], %swap3A_96 {strides = array<i32>} : memref<1000x128xf32, #tpu.memory_space<vmem>>, vector<1x16xf32>,
      %swap3A_97 = arith.index_cast %scan3A_71 : i32 to index
      %swap3A_98 = arith.constant 80 : index
      %swap3A_99 = tpu.vector_load %arg4[%swap3A_97, %swap3A_98] {strides = array<i32>} : memref<1000x128xf32, #tpu.memory_space<vmem>>, vector<1x16xf32>,
      %swap3A_100 = vector.shape_cast %swap3A_99 : vector<1x16xf32> to vector<16xf32>
      %swap3A_101 = vector.shape_cast %broadcast_in_dim3A_13 : vector<16xf32> to vector<1x16xf32>
      tpu.vector_store %arg4[%swap3A_97, %swap3A_98], %swap3A_101 {strides = array<i32>} : memref<1000x128xf32, #tpu.memory_space<vmem>>, vector<1x16xf32>,
      %swap3A_102 = arith.index_cast %scan3A_71 : i32 to index
      %swap3A_103 = arith.constant 96 : index
      %swap3A_104 = tpu.vector_load %arg4[%swap3A_102, %swap3A_103] {strides = array<i32>} : memref<1000x128xf32, #tpu.memory_space<vmem>>, vector<1x16xf32>,
      %swap3A_105 = vector.shape_cast %swap3A_104 : vector<1x16xf32> to vector<16xf32>
      %swap3A_106 = vector.shape_cast %broadcast_in_dim3A_13 : vector<16xf32> to vector<1x16xf32>
      tpu.vector_store %arg4[%swap3A_102, %swap3A_103], %swap3A_106 {strides = array<i32>} : memref<1000x128xf32, #tpu.memory_space<vmem>>, vector<1x16xf32>,
      %swap3A_107 = arith.index_cast %scan3A_71 : i32 to index
      %swap3A_108 = arith.constant 112 : index
      %swap3A_109 = tpu.vector_load %arg4[%swap3A_107, %swap3A_108] {strides = array<i32>} : memref<1000x128xf32, #tpu.memory_space<vmem>>, vector<1x16xf32>,
      %swap3A_110 = vector.shape_cast %swap3A_109 : vector<1x16xf32> to vector<16xf32>
      %swap3A_111 = vector.shape_cast %broadcast_in_dim3A_13 : vector<16xf32> to vector<1x16xf32>
      tpu.vector_store %arg4[%swap3A_107, %swap3A_108], %swap3A_111 {strides = array<i32>} : memref<1000x128xf32, #tpu.memory_space<vmem>>, vector<1x16xf32>,
      %scan3A_112 = arith.constant 2 : i32
      %scan3A_113 = arith.addi %scan3A_30, %scan3A_112 : i32
      %swap3A_114 = arith.index_cast %scan3A_113 : i32 to index
      %swap3A_115 = arith.constant 0 : index
      %swap3A_116 = tpu.vector_load %arg4[%swap3A_114, %swap3A_115] {strides = array<i32>} : memref<1000x128xf32, #tpu.memory_space<vmem>>, vector<1x16xf32>,
      %swap3A_117 = vector.shape_cast %swap3A_116 : vector<1x16xf32> to vector<16xf32>
      %swap3A_118 = vector.shape_cast %broadcast_in_dim3A_13 : vector<16xf32> to vector<1x16xf32>
      tpu.vector_store %arg4[%swap3A_114, %swap3A_115], %swap3A_118 {strides = array<i32>} : memref<1000x128xf32, #tpu.memory_space<vmem>>, vector<1x16xf32>,
      %swap3A_119 = arith.index_cast %scan3A_113 : i32 to index
      %swap3A_120 = arith.constant 16 : index
      %swap3A_121 = tpu.vector_load %arg4[%swap3A_119, %swap3A_120] {strides = array<i32>} : memref<1000x128xf32, #tpu.memory_space<vmem>>, vector<1x16xf32>,
      %swap3A_122 = vector.shape_cast %swap3A_121 : vector<1x16xf32> to vector<16xf32>
      %swap3A_123 = vector.shape_cast %broadcast_in_dim3A_13 : vector<16xf32> to vector<1x16xf32>
      tpu.vector_store %arg4[%swap3A_119, %swap3A_120], %swap3A_123 {strides = array<i32>} : memref<1000x128xf32, #tpu.memory_space<vmem>>, vector<1x16xf32>,
      %swap3A_124 = arith.index_cast %scan3A_113 : i32 to index
      %swap3A_125 = arith.constant 32 : index
      %swap3A_126 = tpu.vector_load %arg4[%swap3A_124, %swap3A_125] {strides = array<i32>} : memref<1000x128xf32, #tpu.memory_space<vmem>>, vector<1x16xf32>,
      %swap3A_127 = vector.shape_cast %swap3A_126 : vector<1x16xf32> to vector<16xf32>
      %swap3A_128 = vector.shape_cast %broadcast_in_dim3A_13 : vector<16xf32> to vector<1x16xf32>
      tpu.vector_store %arg4[%swap3A_124, %swap3A_125], %swap3A_128 {strides = array<i32>} : memref<1000x128xf32, #tpu.memory_space<vmem>>, vector<1x16xf32>,
      %swap3A_129 = arith.index_cast %scan3A_113 : i32 to index
      %swap3A_130 = arith.constant 48 : index
      %swap3A_131 = tpu.vector_load %arg4[%swap3A_129, %swap3A_130] {strides = array<i32>} : memref<1000x128xf32, #tpu.memory_space<vmem>>, vector<1x16xf32>,
      %swap3A_132 = vector.shape_cast %swap3A_131 : vector<1x16xf32> to vector<16xf32>
      %swap3A_133 = vector.shape_cast %broadcast_in_dim3A_13 : vector<16xf32> to vector<1x16xf32>
      tpu.vector_store %arg4[%swap3A_129, %swap3A_130], %swap3A_133 {strides = array<i32>} : memref<1000x128xf32, #tpu.memory_space<vmem>>, vector<1x16xf32>,
      %swap3A_134 = arith.index_cast %scan3A_113 : i32 to index
      %swap3A_135 = arith.constant 64 : index
      %swap3A_136 = tpu.vector_load %arg4[%swap3A_134, %swap3A_135] {strides = array<i32>} : memref<1000x128xf32, #tpu.memory_space<vmem>>, vector<1x16xf32>,
      %swap3A_137 = vector.shape_cast %swap3A_136 : vector<1x16xf32> to vector<16xf32>
      %swap3A_138 = vector.shape_cast %broadcast_in_dim3A_13 : vector<16xf32> to vector<1x16xf32>
      tpu.vector_store %arg4[%swap3A_134, %swap3A_135], %swap3A_138 {strides = array<i32>} : memref<1000x128xf32, #tpu.memory_space<vmem>>, vector<1x16xf32>,
      %swap3A_139 = arith.index_cast %scan3A_113 : i32 to index
      %swap3A_140 = arith.constant 80 : index
      %swap3A_141 = tpu.vector_load %arg4[%swap3A_139, %swap3A_140] {strides = array<i32>} : memref<1000x128xf32, #tpu.memory_space<vmem>>, vector<1x16xf32>,
      %swap3A_142 = vector.shape_cast %swap3A_141 : vector<1x16xf32> to vector<16xf32>
      %swap3A_143 = vector.shape_cast %broadcast_in_dim3A_13 : vector<16xf32> to vector<1x16xf32>
      tpu.vector_store %arg4[%swap3A_139, %swap3A_140], %swap3A_143 {strides = array<i32>} : memref<1000x128xf32, #tpu.memory_space<vmem>>, vector<1x16xf32>,
      %swap3A_144 = arith.index_cast %scan3A_113 : i32 to index
      %swap3A_145 = arith.constant 96 : index
      %swap3A_146 = tpu.vector_load %arg4[%swap3A_144, %swap3A_145] {strides = array<i32>} : memref<1000x128xf32, #tpu.memory_space<vmem>>, vector<1x16xf32>,
      %swap3A_147 = vector.shape_cast %swap3A_146 : vector<1x16xf32> to vector<16xf32>
      %swap3A_148 = vector.shape_cast %broadcast_in_dim3A_13 : vector<16xf32> to vector<1x16xf32>
      tpu.vector_store %arg4[%swap3A_144, %swap3A_145], %swap3A_148 {strides = array<i32>} : memref<1000x128xf32, #tpu.memory_space<vmem>>, vector<1x16xf32>,
      %swap3A_149 = arith.index_cast %scan3A_113 : i32 to index
      %swap3A_150 = arith.constant 112 : index
      %swap3A_151 = tpu.vector_load %arg4[%swap3A_149, %swap3A_150] {strides = array<i32>} : memref<1000x128xf32, #tpu.memory_space<vmem>>, vector<1x16xf32>,
      %swap3A_152 = vector.shape_cast %swap3A_151 : vector<1x16xf32> to vector<16xf32>
      %swap3A_153 = vector.shape_cast %broadcast_in_dim3A_13 : vector<16xf32> to vector<1x16xf32>
      tpu.vector_store %arg4[%swap3A_149, %swap3A_150], %swap3A_153 {strides = array<i32>} : memref<1000x128xf32, #tpu.memory_space<vmem>>, vector<1x16xf32>,
      %scan3A_154 = arith.constant 3 : i32
      %scan3A_155 = arith.addi %scan3A_30, %scan3A_154 : i32
      %swap3A_156 = arith.index_cast %scan3A_155 : i32 to index
      %swap3A_157 = arith.constant 0 : index
      %swap3A_158 = tpu.vector_load %arg4[%swap3A_156, %swap3A_157] {strides = array<i32>} : memref<1000x128xf32, #tpu.memory_space<vmem>>, vector<1x16xf32>,
      %swap3A_159 = vector.shape_cast %swap3A_158 : vector<1x16xf32> to vector<16xf32>
      %swap3A_160 = vector.shape_cast %broadcast_in_dim3A_13 : vector<16xf32> to vector<1x16xf32>
      tpu.vector_store %arg4[%swap3A_156, %swap3A_157], %swap3A_160 {strides = array<i32>} : memref<1000x128xf32, #tpu.memory_space<vmem>>, vector<1x16xf32>,
      %swap3A_161 = arith.index_cast %scan3A_155 : i32 to index
      %swap3A_162 = arith.constant 16 : index
      %swap3A_163 = tpu.vector_load %arg4[%swap3A_161, %swap3A_162] {strides = array<i32>} : memref<1000x128xf32, #tpu.memory_space<vmem>>, vector<1x16xf32>,
      %swap3A_164 = vector.shape_cast %swap3A_163 : vector<1x16xf32> to vector<16xf32>
      %swap3A_165 = vector.shape_cast %broadcast_in_dim3A_13 : vector<16xf32> to vector<1x16xf32>
      tpu.vector_store %arg4[%swap3A_161, %swap3A_162], %swap3A_165 {strides = array<i32>} : memref<1000x128xf32, #tpu.memory_space<vmem>>, vector<1x16xf32>,
      %swap3A_166 = arith.index_cast %scan3A_155 : i32 to index
      %swap3A_167 = arith.constant 32 : index
      %swap3A_168 = tpu.vector_load %arg4[%swap3A_166, %swap3A_167] {strides = array<i32>} : memref<1000x128xf32, #tpu.memory_space<vmem>>, vector<1x16xf32>,
      %swap3A_169 = vector.shape_cast %swap3A_168 : vector<1x16xf32> to vector<16xf32>
      %swap3A_170 = vector.shape_cast %broadcast_in_dim3A_13 : vector<16xf32> to vector<1x16xf32>
      tpu.vector_store %arg4[%swap3A_166, %swap3A_167], %swap3A_170 {strides = array<i32>} : memref<1000x128xf32, #tpu.memory_space<vmem>>, vector<1x16xf32>,
      %swap3A_171 = arith.index_cast %scan3A_155 : i32 to index
      %swap3A_172 = arith.constant 48 : index
      %swap3A_173 = tpu.vector_load %arg4[%swap3A_171, %swap3A_172] {strides = array<i32>} : memref<1000x128xf32, #tpu.memory_space<vmem>>, vector<1x16xf32>,
      %swap3A_174 = vector.shape_cast %swap3A_173 : vector<1x16xf32> to vector<16xf32>
      %swap3A_175 = vector.shape_cast %broadcast_in_dim3A_13 : vector<16xf32> to vector<1x16xf32>
      tpu.vector_store %arg4[%swap3A_171, %swap3A_172], %swap3A_175 {strides = array<i32>} : memref<1000x128xf32, #tpu.memory_space<vmem>>, vector<1x16xf32>,
      %swap3A_176 = arith.index_cast %scan3A_155 : i32 to index
      %swap3A_177 = arith.constant 64 : index
      %swap3A_178 = tpu.vector_load %arg4[%swap3A_176, %swap3A_177] {strides = array<i32>} : memref<1000x128xf32, #tpu.memory_space<vmem>>, vector<1x16xf32>,
      %swap3A_179 = vector.shape_cast %swap3A_178 : vector<1x16xf32> to vector<16xf32>
      %swap3A_180 = vector.shape_cast %broadcast_in_dim3A_13 : vector<16xf32> to vector<1x16xf32>
      tpu.vector_store %arg4[%swap3A_176, %swap3A_177], %swap3A_180 {strides = array<i32>} : memref<1000x128xf32, #tpu.memory_space<vmem>>, vector<1x16xf32>,
      %swap3A_181 = arith.index_cast %scan3A_155 : i32 to index
      %swap3A_182 = arith.constant 80 : index
      %swap3A_183 = tpu.vector_load %arg4[%swap3A_181, %swap3A_182] {strides = array<i32>} : memref<1000x128xf32, #tpu.memory_space<vmem>>, vector<1x16xf32>,
      %swap3A_184 = vector.shape_cast %swap3A_183 : vector<1x16xf32> to vector<16xf32>
      %swap3A_185 = vector.shape_cast %broadcast_in_dim3A_13 : vector<16xf32> to vector<1x16xf32>
      tpu.vector_store %arg4[%swap3A_181, %swap3A_182], %swap3A_185 {strides = array<i32>} : memref<1000x128xf32, #tpu.memory_space<vmem>>, vector<1x16xf32>,
      %swap3A_186 = arith.index_cast %scan3A_155 : i32 to index
      %swap3A_187 = arith.constant 96 : index
      %swap3A_188 = tpu.vector_load %arg4[%swap3A_186, %swap3A_187] {strides = array<i32>} : memref<1000x128xf32, #tpu.memory_space<vmem>>, vector<1x16xf32>,
      %swap3A_189 = vector.shape_cast %swap3A_188 : vector<1x16xf32> to vector<16xf32>
      %swap3A_190 = vector.shape_cast %broadcast_in_dim3A_13 : vector<16xf32> to vector<1x16xf32>
      tpu.vector_store %arg4[%swap3A_186, %swap3A_187], %swap3A_190 {strides = array<i32>} : memref<1000x128xf32, #tpu.memory_space<vmem>>, vector<1x16xf32>,
      %swap3A_191 = arith.index_cast %scan3A_155 : i32 to index
      %swap3A_192 = arith.constant 112 : index
      %swap3A_193 = tpu.vector_load %arg4[%swap3A_191, %swap3A_192] {strides = array<i32>} : memref<1000x128xf32, #tpu.memory_space<vmem>>, vector<1x16xf32>,
      %swap3A_194 = vector.shape_cast %swap3A_193 : vector<1x16xf32> to vector<16xf32>
      %swap3A_195 = vector.shape_cast %broadcast_in_dim3A_13 : vector<16xf32> to vector<1x16xf32>
      tpu.vector_store %arg4[%swap3A_191, %swap3A_192], %swap3A_195 {strides = array<i32>} : memref<1000x128xf32, #tpu.memory_space<vmem>>, vector<1x16xf32>,
    }
    %scan3A_18 = arith.constant 1000 : i32
    %scan3A_19 = arith.constant 0 : i32
    %scan3A_20 = arith.constant 0 : i32
    %scan3A_21 = arith.constant 4 : i32
    %scan3A_22 = arith.addi %scan3A_20, %scan3A_21 : i32
    %scan3A_23 = arith.constant 1 : i32
    scf.for %scan3A_30 = %scan3A_20 to %scan3A_22 step %scan3A_23  : i32 {
      %gt3A = arith.constant 0 : i32
      %gt3A_31 = arith.cmpi sgt, %scan3A_30, %gt3A : i32
      %convert_element_type3A = arith.extui %gt3A_31 : i1 to i32
      %cond3A = arith.constant 0 : i32
      %cond3A_32 = arith.cmpi ne, %convert_element_type3A, %cond3A : i32
      scf.if %cond3A_32 {
        %dma_wait3A_73 = arith.constant 0 : i32
        %dma_wait3A_74 = arith.constant 0 : i32
        %dma_wait3A_75 = tpu.memref_slice %arg3[%dma_wait3A_73, %dma_wait3A_74] : memref<1000x16384xf32, #tpu.memory_space<hbm>> -> memref<1000x128xf32, #tpu.memory_space<hbm>>
        %dma_wait3A_76 = arith.constant 0 : i32
        %dma_wait3A_77 = arith.constant 0 : i32
        %dma_wait3A_78 = tpu.memref_slice %arg3[%dma_wait3A_76, %dma_wait3A_77] : memref<1000x16384xf32, #tpu.memory_space<hbm>> -> memref<1000x128xf32, #tpu.memory_space<hbm>>
        tpu.wait_dma2 semaphore(%arg6 : memref<!tpu.dma_semaphore, #tpu.memory_space<semaphore_mem>>) src(%arg4 : memref<1000x128xf32, #tpu.memory_space<vmem>>) dst(%dma_wait3A_78 : memref<1000x128xf32, #tpu.memory_space<hbm>>)
        %sub3A = arith.constant 1 : i32
        %sub3A_79 = arith.subi %scan3A_30, %sub3A : i32
        %scan3A_80 = arith.constant 0 : i32
        %scan3A_81 = arith.constant 0 : i32
        %scan3A_82 = arith.constant 8 : i32
        %scan3A_83 = arith.addi %scan3A_81, %scan3A_82 : i32
        %scan3A_84 = arith.constant 1 : i32
        scf.for %scan3A_86 = %scan3A_81 to %scan3A_83 step %scan3A_84  : i32 {
          %mul3A_87 = arith.constant 16 : i32
          %mul3A_88 = arith.muli %scan3A_86, %mul3A_87 : i32
          %multiple_of3A = tpu.assume_multiple %mul3A_88, 16 : i32
          %jit3A_89 = arith.constant 2 : i32
          %eq3A_90 = arith.constant 0 : i32
          %eq3A_91 = arith.cmpi eq, %jit3A_89, %eq3A_90 : i32
          %jit3A_92 = arith.constant 1 : i32
          %select_n3A_93 = arith.select %eq3A_91, %jit3A_92, %jit3A_89 : i32
          %rem3A_94 = arith.remsi %sub3A_79, %select_n3A_93 : i32
          %ne3A_95 = arith.constant 0 : i32
          %ne3A_96 = arith.cmpi ne, %rem3A_94, %ne3A_95 : i32
          %lt3A_97 = arith.constant 0 : i32
          %lt3A_98 = arith.cmpi slt, %rem3A_94, %lt3A_97 : i32
          %lt3A_99 = arith.constant 0 : i32
          %lt3A_100 = arith.cmpi slt, %select_n3A_93, %lt3A_99 : i32
          %ne3A_101 = arith.xori %lt3A_98, %lt3A_100 : i1
          %and3A_102 = arith.andi %ne3A_101, %ne3A_96 : i1
          %add3A_103 = arith.addi %rem3A_94, %select_n3A_93 : i32
          %select_n3A_104 = arith.select %and3A_102, %add3A_103, %rem3A_94 : i32
          %get3A = arith.index_cast %select_n3A_104 : i32 to index
          %get3A_105 = arith.index_cast %multiple_of3A : i32 to index
          %get3A_106 = tpu.vector_load %arg5[%get3A, %get3A_105] {strides = array<i32>} : memref<2x128xi32, #tpu.memory_space<vmem>>, vector<1x16xi32>,
          %get3A_107 = vector.shape_cast %get3A_106 : vector<1x16xi32> to vector<16xi32>
          %slice3A = vector.extract_strided_slice %get3A_107 {offsets = [0], sizes = [1], strides = [1]} : vector<16xi32> to vector<1xi32>
          %squeeze3A = vector.extract %slice3A[0] : i32 from vector<1xi32>
          %swap3A = arith.index_cast %squeeze3A : i32 to index
          %swap3A_108 = arith.index_cast %multiple_of3A : i32 to index
          %swap3A_109 = tpu.vector_load %arg4[%swap3A, %swap3A_108] {strides = array<i32>} : memref<1000x128xf32, #tpu.memory_space<vmem>>, vector<1x16xf32>,
          %swap3A_110 = vector.shape_cast %swap3A_109 : vector<1x16xf32> to vector<16xf32>
          %swap3A_111 = vector.shape_cast %broadcast_in_dim3A_13 : vector<16xf32> to vector<1x16xf32>
          tpu.vector_store %arg4[%swap3A, %swap3A_108], %swap3A_111 {strides = array<i32>} : memref<1000x128xf32, #tpu.memory_space<vmem>>, vector<1x16xf32>,
          %slice3A_112 = vector.extract_strided_slice %get3A_107 {offsets = [1], sizes = [1], strides = [1]} : vector<16xi32> to vector<1xi32>
          %squeeze3A_113 = vector.extract %slice3A_112[0] : i32 from vector<1xi32>
          %swap3A_114 = arith.index_cast %squeeze3A_113 : i32 to index
          %swap3A_115 = arith.index_cast %multiple_of3A : i32 to index
          %swap3A_116 = tpu.vector_load %arg4[%swap3A_114, %swap3A_115] {strides = array<i32>} : memref<1000x128xf32, #tpu.memory_space<vmem>>, vector<1x16xf32>,
          %swap3A_117 = vector.shape_cast %swap3A_116 : vector<1x16xf32> to vector<16xf32>
          %swap3A_118 = vector.shape_cast %broadcast_in_dim3A_13 : vector<16xf32> to vector<1x16xf32>
          tpu.vector_store %arg4[%swap3A_114, %swap3A_115], %swap3A_118 {strides = array<i32>} : memref<1000x128xf32, #tpu.memory_space<vmem>>, vector<1x16xf32>,
          %slice3A_119 = vector.extract_strided_slice %get3A_107 {offsets = [2], sizes = [1], strides = [1]} : vector<16xi32> to vector<1xi32>
          %squeeze3A_120 = vector.extract %slice3A_119[0] : i32 from vector<1xi32>
          %swap3A_121 = arith.index_cast %squeeze3A_120 : i32 to index
          %swap3A_122 = arith.index_cast %multiple_of3A : i32 to index
          %swap3A_123 = tpu.vector_load %arg4[%swap3A_121, %swap3A_122] {strides = array<i32>} : memref<1000x128xf32, #tpu.memory_space<vmem>>, vector<1x16xf32>,
          %swap3A_124 = vector.shape_cast %swap3A_123 : vector<1x16xf32> to vector<16xf32>
          %swap3A_125 = vector.shape_cast %broadcast_in_dim3A_13 : vector<16xf32> to vector<1x16xf32>
          tpu.vector_store %arg4[%swap3A_121, %swap3A_122], %swap3A_125 {strides = array<i32>} : memref<1000x128xf32, #tpu.memory_space<vmem>>, vector<1x16xf32>,
          %slice3A_126 = vector.extract_strided_slice %get3A_107 {offsets = [3], sizes = [1], strides = [1]} : vector<16xi32> to vector<1xi32>
          %squeeze3A_127 = vector.extract %slice3A_126[0] : i32 from vector<1xi32>
          %swap3A_128 = arith.index_cast %squeeze3A_127 : i32 to index
          %swap3A_129 = arith.index_cast %multiple_of3A : i32 to index
          %swap3A_130 = tpu.vector_load %arg4[%swap3A_128, %swap3A_129] {strides = array<i32>} : memref<1000x128xf32, #tpu.memory_space<vmem>>, vector<1x16xf32>,
          %swap3A_131 = vector.shape_cast %swap3A_130 : vector<1x16xf32> to vector<16xf32>
          %swap3A_132 = vector.shape_cast %broadcast_in_dim3A_13 : vector<16xf32> to vector<1x16xf32>
          tpu.vector_store %arg4[%swap3A_128, %swap3A_129], %swap3A_132 {strides = array<i32>} : memref<1000x128xf32, #tpu.memory_space<vmem>>, vector<1x16xf32>,
          %slice3A_133 = vector.extract_strided_slice %get3A_107 {offsets = [4], sizes = [1], strides = [1]} : vector<16xi32> to vector<1xi32>
          %squeeze3A_134 = vector.extract %slice3A_133[0] : i32 from vector<1xi32>
          %swap3A_135 = arith.index_cast %squeeze3A_134 : i32 to index
          %swap3A_136 = arith.index_cast %multiple_of3A : i32 to index
          %swap3A_137 = tpu.vector_load %arg4[%swap3A_135, %swap3A_136] {strides = array<i32>} : memref<1000x128xf32, #tpu.memory_space<vmem>>, vector<1x16xf32>,
          %swap3A_138 = vector.shape_cast %swap3A_137 : vector<1x16xf32> to vector<16xf32>
          %swap3A_139 = vector.shape_cast %broadcast_in_dim3A_13 : vector<16xf32> to vector<1x16xf32>
          tpu.vector_store %arg4[%swap3A_135, %swap3A_136], %swap3A_139 {strides = array<i32>} : memref<1000x128xf32, #tpu.memory_space<vmem>>, vector<1x16xf32>,
          %slice3A_140 = vector.extract_strided_slice %get3A_107 {offsets = [5], sizes = [1], strides = [1]} : vector<16xi32> to vector<1xi32>
          %squeeze3A_141 = vector.extract %slice3A_140[0] : i32 from vector<1xi32>
          %swap3A_142 = arith.index_cast %squeeze3A_141 : i32 to index
          %swap3A_143 = arith.index_cast %multiple_of3A : i32 to index
          %swap3A_144 = tpu.vector_load %arg4[%swap3A_142, %swap3A_143] {strides = array<i32>} : memref<1000x128xf32, #tpu.memory_space<vmem>>, vector<1x16xf32>,
          %swap3A_145 = vector.shape_cast %swap3A_144 : vector<1x16xf32> to vector<16xf32>
          %swap3A_146 = vector.shape_cast %broadcast_in_dim3A_13 : vector<16xf32> to vector<1x16xf32>
          tpu.vector_store %arg4[%swap3A_142, %swap3A_143], %swap3A_146 {strides = array<i32>} : memref<1000x128xf32, #tpu.memory_space<vmem>>, vector<1x16xf32>,
          %slice3A_147 = vector.extract_strided_slice %get3A_107 {offsets = [6], sizes = [1], strides = [1]} : vector<16xi32> to vector<1xi32>
          %squeeze3A_148 = vector.extract %slice3A_147[0] : i32 from vector<1xi32>
          %swap3A_149 = arith.index_cast %squeeze3A_148 : i32 to index
          %swap3A_150 = arith.index_cast %multiple_of3A : i32 to index
          %swap3A_151 = tpu.vector_load %arg4[%swap3A_149, %swap3A_150] {strides = array<i32>} : memref<1000x128xf32, #tpu.memory_space<vmem>>, vector<1x16xf32>,
          %swap3A_152 = vector.shape_cast %swap3A_151 : vector<1x16xf32> to vector<16xf32>
          %swap3A_153 = vector.shape_cast %broadcast_in_dim3A_13 : vector<16xf32> to vector<1x16xf32>
          tpu.vector_store %arg4[%swap3A_149, %swap3A_150], %swap3A_153 {strides = array<i32>} : memref<1000x128xf32, #tpu.memory_space<vmem>>, vector<1x16xf32>,
          %slice3A_154 = vector.extract_strided_slice %get3A_107 {offsets = [7], sizes = [1], strides = [1]} : vector<16xi32> to vector<1xi32>
          %squeeze3A_155 = vector.extract %slice3A_154[0] : i32 from vector<1xi32>
          %swap3A_156 = arith.index_cast %squeeze3A_155 : i32 to index
          %swap3A_157 = arith.index_cast %multiple_of3A : i32 to index
          %swap3A_158 = tpu.vector_load %arg4[%swap3A_156, %swap3A_157] {strides = array<i32>} : memref<1000x128xf32, #tpu.memory_space<vmem>>, vector<1x16xf32>,
          %swap3A_159 = vector.shape_cast %swap3A_158 : vector<1x16xf32> to vector<16xf32>
          %swap3A_160 = vector.shape_cast %broadcast_in_dim3A_13 : vector<16xf32> to vector<1x16xf32>
          tpu.vector_store %arg4[%swap3A_156, %swap3A_157], %swap3A_160 {strides = array<i32>} : memref<1000x128xf32, #tpu.memory_space<vmem>>, vector<1x16xf32>,
          %slice3A_161 = vector.extract_strided_slice %get3A_107 {offsets = [8], sizes = [1], strides = [1]} : vector<16xi32> to vector<1xi32>
          %squeeze3A_162 = vector.extract %slice3A_161[0] : i32 from vector<1xi32>
          %swap3A_163 = arith.index_cast %squeeze3A_162 : i32 to index
          %swap3A_164 = arith.index_cast %multiple_of3A : i32 to index
          %swap3A_165 = tpu.vector_load %arg4[%swap3A_163, %swap3A_164] {strides = array<i32>} : memref<1000x128xf32, #tpu.memory_space<vmem>>, vector<1x16xf32>,
          %swap3A_166 = vector.shape_cast %swap3A_165 : vector<1x16xf32> to vector<16xf32>
          %swap3A_167 = vector.shape_cast %broadcast_in_dim3A_13 : vector<16xf32> to vector<1x16xf32>
          tpu.vector_store %arg4[%swap3A_163, %swap3A_164], %swap3A_167 {strides = array<i32>} : memref<1000x128xf32, #tpu.memory_space<vmem>>, vector<1x16xf32>,
          %slice3A_168 = vector.extract_strided_slice %get3A_107 {offsets = [9], sizes = [1], strides = [1]} : vector<16xi32> to vector<1xi32>
          %squeeze3A_169 = vector.extract %slice3A_168[0] : i32 from vector<1xi32>
          %swap3A_170 = arith.index_cast %squeeze3A_169 : i32 to index
          %swap3A_171 = arith.index_cast %multiple_of3A : i32 to index
          %swap3A_172 = tpu.vector_load %arg4[%swap3A_170, %swap3A_171] {strides = array<i32>} : memref<1000x128xf32, #tpu.memory_space<vmem>>, vector<1x16xf32>,
          %swap3A_173 = vector.shape_cast %swap3A_172 : vector<1x16xf32> to vector<16xf32>
          %swap3A_174 = vector.shape_cast %broadcast_in_dim3A_13 : vector<16xf32> to vector<1x16xf32>
          tpu.vector_store %arg4[%swap3A_170, %swap3A_171], %swap3A_174 {strides = array<i32>} : memref<1000x128xf32, #tpu.memory_space<vmem>>, vector<1x16xf32>,
          %slice3A_175 = vector.extract_strided_slice %get3A_107 {offsets = [10], sizes = [1], strides = [1]} : vector<16xi32> to vector<1xi32>
          %squeeze3A_176 = vector.extract %slice3A_175[0] : i32 from vector<1xi32>
          %swap3A_177 = arith.index_cast %squeeze3A_176 : i32 to index
          %swap3A_178 = arith.index_cast %multiple_of3A : i32 to index
          %swap3A_179 = tpu.vector_load %arg4[%swap3A_177, %swap3A_178] {strides = array<i32>} : memref<1000x128xf32, #tpu.memory_space<vmem>>, vector<1x16xf32>,
          %swap3A_180 = vector.shape_cast %swap3A_179 : vector<1x16xf32> to vector<16xf32>
          %swap3A_181 = vector.shape_cast %broadcast_in_dim3A_13 : vector<16xf32> to vector<1x16xf32>
          tpu.vector_store %arg4[%swap3A_177, %swap3A_178], %swap3A_181 {strides = array<i32>} : memref<1000x128xf32, #tpu.memory_space<vmem>>, vector<1x16xf32>,
          %slice3A_182 = vector.extract_strided_slice %get3A_107 {offsets = [11], sizes = [1], strides = [1]} : vector<16xi32> to vector<1xi32>
          %squeeze3A_183 = vector.extract %slice3A_182[0] : i32 from vector<1xi32>
          %swap3A_184 = arith.index_cast %squeeze3A_183 : i32 to index
          %swap3A_185 = arith.index_cast %multiple_of3A : i32 to index
          %swap3A_186 = tpu.vector_load %arg4[%swap3A_184, %swap3A_185] {strides = array<i32>} : memref<1000x128xf32, #tpu.memory_space<vmem>>, vector<1x16xf32>,
          %swap3A_187 = vector.shape_cast %swap3A_186 : vector<1x16xf32> to vector<16xf32>
          %swap3A_188 = vector.shape_cast %broadcast_in_dim3A_13 : vector<16xf32> to vector<1x16xf32>
          tpu.vector_store %arg4[%swap3A_184, %swap3A_185], %swap3A_188 {strides = array<i32>} : memref<1000x128xf32, #tpu.memory_space<vmem>>, vector<1x16xf32>,
          %slice3A_189 = vector.extract_strided_slice %get3A_107 {offsets = [12], sizes = [1], strides = [1]} : vector<16xi32> to vector<1xi32>
          %squeeze3A_190 = vector.extract %slice3A_189[0] : i32 from vector<1xi32>
          %swap3A_191 = arith.index_cast %squeeze3A_190 : i32 to index
          %swap3A_192 = arith.index_cast %multiple_of3A : i32 to index
          %swap3A_193 = tpu.vector_load %arg4[%swap3A_191, %swap3A_192] {strides = array<i32>} : memref<1000x128xf32, #tpu.memory_space<vmem>>, vector<1x16xf32>,
          %swap3A_194 = vector.shape_cast %swap3A_193 : vector<1x16xf32> to vector<16xf32>
          %swap3A_195 = vector.shape_cast %broadcast_in_dim3A_13 : vector<16xf32> to vector<1x16xf32>
          tpu.vector_store %arg4[%swap3A_191, %swap3A_192], %swap3A_195 {strides = array<i32>} : memref<1000x128xf32, #tpu.memory_space<vmem>>, vector<1x16xf32>,
          %slice3A_196 = vector.extract_strided_slice %get3A_107 {offsets = [13], sizes = [1], strides = [1]} : vector<16xi32> to vector<1xi32>
          %squeeze3A_197 = vector.extract %slice3A_196[0] : i32 from vector<1xi32>
          %swap3A_198 = arith.index_cast %squeeze3A_197 : i32 to index
          %swap3A_199 = arith.index_cast %multiple_of3A : i32 to index
          %swap3A_200 = tpu.vector_load %arg4[%swap3A_198, %swap3A_199] {strides = array<i32>} : memref<1000x128xf32, #tpu.memory_space<vmem>>, vector<1x16xf32>,
          %swap3A_201 = vector.shape_cast %swap3A_200 : vector<1x16xf32> to vector<16xf32>
          %swap3A_202 = vector.shape_cast %broadcast_in_dim3A_13 : vector<16xf32> to vector<1x16xf32>
          tpu.vector_store %arg4[%swap3A_198, %swap3A_199], %swap3A_202 {strides = array<i32>} : memref<1000x128xf32, #tpu.memory_space<vmem>>, vector<1x16xf32>,
          %slice3A_203 = vector.extract_strided_slice %get3A_107 {offsets = [14], sizes = [1], strides = [1]} : vector<16xi32> to vector<1xi32>
          %squeeze3A_204 = vector.extract %slice3A_203[0] : i32 from vector<1xi32>
          %swap3A_205 = arith.index_cast %squeeze3A_204 : i32 to index
          %swap3A_206 = arith.index_cast %multiple_of3A : i32 to index
          %swap3A_207 = tpu.vector_load %arg4[%swap3A_205, %swap3A_206] {strides = array<i32>} : memref<1000x128xf32, #tpu.memory_space<vmem>>, vector<1x16xf32>,
          %swap3A_208 = vector.shape_cast %swap3A_207 : vector<1x16xf32> to vector<16xf32>
          %swap3A_209 = vector.shape_cast %broadcast_in_dim3A_13 : vector<16xf32> to vector<1x16xf32>
          tpu.vector_store %arg4[%swap3A_205, %swap3A_206], %swap3A_209 {strides = array<i32>} : memref<1000x128xf32, #tpu.memory_space<vmem>>, vector<1x16xf32>,
          %slice3A_210 = vector.extract_strided_slice %get3A_107 {offsets = [15], sizes = [1], strides = [1]} : vector<16xi32> to vector<1xi32>
          %squeeze3A_211 = vector.extract %slice3A_210[0] : i32 from vector<1xi32>
          %swap3A_212 = arith.index_cast %squeeze3A_211 : i32 to index
          %swap3A_213 = arith.index_cast %multiple_of3A : i32 to index
          %swap3A_214 = tpu.vector_load %arg4[%swap3A_212, %swap3A_213] {strides = array<i32>} : memref<1000x128xf32, #tpu.memory_space<vmem>>, vector<1x16xf32>,
          %swap3A_215 = vector.shape_cast %swap3A_214 : vector<1x16xf32> to vector<16xf32>
          %swap3A_216 = vector.shape_cast %broadcast_in_dim3A_13 : vector<16xf32> to vector<1x16xf32>
          tpu.vector_store %arg4[%swap3A_212, %swap3A_213], %swap3A_216 {strides = array<i32>} : memref<1000x128xf32, #tpu.memory_space<vmem>>, vector<1x16xf32>,
        }
        %scan3A_85 = arith.constant 8 : i32
      } else {
      }
      %mul3A_33 = arith.constant 128 : i32
      %mul3A_34 = arith.muli %scan3A_30, %mul3A_33 : i32
      %add3A_35 = arith.addi %mul3A_2, %mul3A_34 : i32
      %jit3A = arith.constant 2 : i32
      %eq3A = arith.constant 0 : i32
      %eq3A_36 = arith.cmpi eq, %jit3A, %eq3A : i32
      %jit3A_37 = arith.constant 1 : i32
      %select_n3A = arith.select %eq3A_36, %jit3A_37, %jit3A : i32
      %rem3A = arith.remsi %scan3A_30, %select_n3A : i32
      %ne3A = arith.constant 0 : i32
      %ne3A_38 = arith.cmpi ne, %rem3A, %ne3A : i32
      %lt3A = arith.constant 0 : i32
      %lt3A_39 = arith.cmpi slt, %rem3A, %lt3A : i32
      %lt3A_40 = arith.constant 0 : i32
      %lt3A_41 = arith.cmpi slt, %select_n3A, %lt3A_40 : i32
      %ne3A_42 = arith.xori %lt3A_39, %lt3A_41 : i1
      %and3A = arith.andi %ne3A_42, %ne3A_38 : i1
      %add3A_43 = arith.addi %rem3A, %select_n3A : i32
      %select_n3A_44 = arith.select %and3A, %add3A_43, %rem3A : i32
      %dma_wait3A_45 = arith.constant 0 : i32
      %dma_wait3A_46 = tpu.memref_slice %arg5[%select_n3A_44, %dma_wait3A_45] : memref<2x128xi32, #tpu.memory_space<vmem>> -> memref<1x128xi32, #tpu.memory_space<vmem>>
      %dma_wait3A_47 = tpu.memref_squeeze %dma_wait3A_46 : memref<1x128xi32, #tpu.memory_space<vmem>> -> memref<128xi32, #tpu.memory_space<vmem>>
      %dma_wait3A_48 = tpu.memref_slice %arg2[%add3A_35] : memref<16384xi32, #tpu.memory_space<hbm>> -> memref<128xi32, #tpu.memory_space<hbm>>
      %dma_wait3A_49 = arith.constant 0 : i32
      %dma_wait3A_50 = tpu.memref_slice %arg5[%select_n3A_44, %dma_wait3A_49] : memref<2x128xi32, #tpu.memory_space<vmem>> -> memref<1x128xi32, #tpu.memory_space<vmem>>
      %dma_wait3A_51 = tpu.memref_squeeze %dma_wait3A_50 : memref<1x128xi32, #tpu.memory_space<vmem>> -> memref<128xi32, #tpu.memory_space<vmem>>
      %dma_wait3A_52 = tpu.memref_slice %arg2[%add3A_35] : memref<16384xi32, #tpu.memory_space<hbm>> -> memref<128xi32, #tpu.memory_space<hbm>>
      tpu.wait_dma2 semaphore(%arg8 : memref<!tpu.dma_semaphore, #tpu.memory_space<semaphore_mem>>) src(%dma_wait3A_52 : memref<128xi32, #tpu.memory_space<hbm>>) dst(%dma_wait3A_51 : memref<128xi32, #tpu.memory_space<vmem>>)
      %scan3A_53 = arith.constant 0 : i32
      %scan3A_54 = arith.constant 0 : i32
      %scan3A_55 = arith.constant 8 : i32
      %scan3A_56 = arith.addi %scan3A_54, %scan3A_55 : i32
      %scan3A_57 = arith.constant 1 : i32
      scf.for %scan3A_73 = %scan3A_54 to %scan3A_56 step %scan3A_57  : i32 {
        %mul3A_74 = arith.constant 16 : i32
        %mul3A_75 = arith.muli %scan3A_73, %mul3A_74 : i32
        %multiple_of3A = tpu.assume_multiple %mul3A_75, 16 : i32
        %jit3A_76 = arith.constant 2 : i32
        %eq3A_77 = arith.constant 0 : i32
        %eq3A_78 = arith.cmpi eq, %jit3A_76, %eq3A_77 : i32
        %jit3A_79 = arith.constant 1 : i32
        %select_n3A_80 = arith.select %eq3A_78, %jit3A_79, %jit3A_76 : i32
        %rem3A_81 = arith.remsi %scan3A_30, %select_n3A_80 : i32
        %ne3A_82 = arith.constant 0 : i32
        %ne3A_83 = arith.cmpi ne, %rem3A_81, %ne3A_82 : i32
        %lt3A_84 = arith.constant 0 : i32
        %lt3A_85 = arith.cmpi slt, %rem3A_81, %lt3A_84 : i32
        %lt3A_86 = arith.constant 0 : i32
        %lt3A_87 = arith.cmpi slt, %select_n3A_80, %lt3A_86 : i32
        %ne3A_88 = arith.xori %lt3A_85, %lt3A_87 : i1
        %and3A_89 = arith.andi %ne3A_88, %ne3A_83 : i1
        %add3A_90 = arith.addi %rem3A_81, %select_n3A_80 : i32
        %select_n3A_91 = arith.select %and3A_89, %add3A_90, %rem3A_81 : i32
        %get3A = arith.index_cast %select_n3A_91 : i32 to index
        %get3A_92 = arith.index_cast %multiple_of3A : i32 to index
        %get3A_93 = tpu.vector_load %arg5[%get3A, %get3A_92] {strides = array<i32>} : memref<2x128xi32, #tpu.memory_space<vmem>>, vector<1x16xi32>,
        %get3A_94 = vector.shape_cast %get3A_93 : vector<1x16xi32> to vector<16xi32>
        %slice3A = vector.extract_strided_slice %get3A_94 {offsets = [0], sizes = [1], strides = [1]} : vector<16xi32> to vector<1xi32>
        %squeeze3A = vector.extract %slice3A[0] : i32 from vector<1xi32>
        %get3A_95 = arith.index_cast %squeeze3A : i32 to index
        %get3A_96 = arith.index_cast %multiple_of3A : i32 to index
        %get3A_97 = tpu.vector_load %arg4[%get3A_95, %get3A_96] {strides = array<i32>} : memref<1000x128xf32, #tpu.memory_space<vmem>>, vector<1x16xf32>,
        %get3A_98 = vector.shape_cast %get3A_97 : vector<1x16xf32> to vector<16xf32>
        %eq3A_99 = arith.constant 0 : i32
        %eq3A_100 = vector.broadcast %eq3A_99 : i32 to vector<16xi32>
        %eq3A_101 = arith.cmpi eq, %iota3A, %eq3A_100 : vector<16xi32>
        %jit3A_102 = arith.constant 1.000000e+01 : f32
        %broadcast_in_dim3A_103 = vector.broadcast %jit3A_102 : f32 to vector<16xf32>
        %select_n3A_104 = arith.select %eq3A_101, %broadcast_in_dim3A_103, %get3A_98 : vector<16xi1>, vector<16xf32>
        %swap3A = arith.index_cast %squeeze3A : i32 to index
        %swap3A_105 = arith.index_cast %multiple_of3A : i32 to index
        %swap3A_106 = tpu.vector_load %arg4[%swap3A, %swap3A_105] {strides = array<i32>} : memref<1000x128xf32, #tpu.memory_space<vmem>>, vector<1x16xf32>,
        %swap3A_107 = vector.shape_cast %swap3A_106 : vector<1x16xf32> to vector<16xf32>
        %swap3A_108 = vector.shape_cast %select_n3A_104 : vector<16xf32> to vector<1x16xf32>
        tpu.vector_store %arg4[%swap3A, %swap3A_105], %swap3A_108 {strides = array<i32>} : memref<1000x128xf32, #tpu.memory_space<vmem>>, vector<1x16xf32>,
        %slice3A_109 = vector.extract_strided_slice %get3A_94 {offsets = [1], sizes = [1], strides = [1]} : vector<16xi32> to vector<1xi32>
        %squeeze3A_110 = vector.extract %slice3A_109[0] : i32 from vector<1xi32>
        %get3A_111 = arith.index_cast %squeeze3A_110 : i32 to index
        %get3A_112 = arith.index_cast %multiple_of3A : i32 to index
        %get3A_113 = tpu.vector_load %arg4[%get3A_111, %get3A_112] {strides = array<i32>} : memref<1000x128xf32, #tpu.memory_space<vmem>>, vector<1x16xf32>,
        %get3A_114 = vector.shape_cast %get3A_113 : vector<1x16xf32> to vector<16xf32>
        %eq3A_115 = arith.constant 1 : i32
        %eq3A_116 = vector.broadcast %eq3A_115 : i32 to vector<16xi32>
        %eq3A_117 = arith.cmpi eq, %iota3A, %eq3A_116 : vector<16xi32>
        %jit3A_118 = arith.constant 1.000000e+01 : f32
        %broadcast_in_dim3A_119 = vector.broadcast %jit3A_118 : f32 to vector<16xf32>
        %select_n3A_120 = arith.select %eq3A_117, %broadcast_in_dim3A_119, %get3A_114 : vector<16xi1>, vector<16xf32>
        %swap3A_121 = arith.index_cast %squeeze3A_110 : i32 to index
        %swap3A_122 = arith.index_cast %multiple_of3A : i32 to index
        %swap3A_123 = tpu.vector_load %arg4[%swap3A_121, %swap3A_122] {strides = array<i32>} : memref<1000x128xf32, #tpu.memory_space<vmem>>, vector<1x16xf32>,
        %swap3A_124 = vector.shape_cast %swap3A_123 : vector<1x16xf32> to vector<16xf32>
        %swap3A_125 = vector.shape_cast %select_n3A_120 : vector<16xf32> to vector<1x16xf32>
        tpu.vector_store %arg4[%swap3A_121, %swap3A_122], %swap3A_125 {strides = array<i32>} : memref<1000x128xf32, #tpu.memory_space<vmem>>, vector<1x16xf32>,
        %slice3A_126 = vector.extract_strided_slice %get3A_94 {offsets = [2], sizes = [1], strides = [1]} : vector<16xi32> to vector<1xi32>
        %squeeze3A_127 = vector.extract %slice3A_126[0] : i32 from vector<1xi32>
        %get3A_128 = arith.index_cast %squeeze3A_127 : i32 to index
        %get3A_129 = arith.index_cast %multiple_of3A : i32 to index
        %get3A_130 = tpu.vector_load %arg4[%get3A_128, %get3A_129] {strides = array<i32>} : memref<1000x128xf32, #tpu.memory_space<vmem>>, vector<1x16xf32>,
        %get3A_131 = vector.shape_cast %get3A_130 : vector<1x16xf32> to vector<16xf32>
        %eq3A_132 = arith.constant 2 : i32
        %eq3A_133 = vector.broadcast %eq3A_132 : i32 to vector<16xi32>
        %eq3A_134 = arith.cmpi eq, %iota3A, %eq3A_133 : vector<16xi32>
        %jit3A_135 = arith.constant 1.000000e+01 : f32
        %broadcast_in_dim3A_136 = vector.broadcast %jit3A_135 : f32 to vector<16xf32>
        %select_n3A_137 = arith.select %eq3A_134, %broadcast_in_dim3A_136, %get3A_131 : vector<16xi1>, vector<16xf32>
        %swap3A_138 = arith.index_cast %squeeze3A_127 : i32 to index
        %swap3A_139 = arith.index_cast %multiple_of3A : i32 to index
        %swap3A_140 = tpu.vector_load %arg4[%swap3A_138, %swap3A_139] {strides = array<i32>} : memref<1000x128xf32, #tpu.memory_space<vmem>>, vector<1x16xf32>,
        %swap3A_141 = vector.shape_cast %swap3A_140 : vector<1x16xf32> to vector<16xf32>
        %swap3A_142 = vector.shape_cast %select_n3A_137 : vector<16xf32> to vector<1x16xf32>
        tpu.vector_store %arg4[%swap3A_138, %swap3A_139], %swap3A_142 {strides = array<i32>} : memref<1000x128xf32, #tpu.memory_space<vmem>>, vector<1x16xf32>,
        %slice3A_143 = vector.extract_strided_slice %get3A_94 {offsets = [3], sizes = [1], strides = [1]} : vector<16xi32> to vector<1xi32>
        %squeeze3A_144 = vector.extract %slice3A_143[0] : i32 from vector<1xi32>
        %get3A_145 = arith.index_cast %squeeze3A_144 : i32 to index
        %get3A_146 = arith.index_cast %multiple_of3A : i32 to index
        %get3A_147 = tpu.vector_load %arg4[%get3A_145, %get3A_146] {strides = array<i32>} : memref<1000x128xf32, #tpu.memory_space<vmem>>, vector<1x16xf32>,
        %get3A_148 = vector.shape_cast %get3A_147 : vector<1x16xf32> to vector<16xf32>
        %eq3A_149 = arith.constant 3 : i32
        %eq3A_150 = vector.broadcast %eq3A_149 : i32 to vector<16xi32>
        %eq3A_151 = arith.cmpi eq, %iota3A, %eq3A_150 : vector<16xi32>
        %jit3A_152 = arith.constant 1.000000e+01 : f32
        %broadcast_in_dim3A_153 = vector.broadcast %jit3A_152 : f32 to vector<16xf32>
        %select_n3A_154 = arith.select %eq3A_151, %broadcast_in_dim3A_153, %get3A_148 : vector<16xi1>, vector<16xf32>
        %swap3A_155 = arith.index_cast %squeeze3A_144 : i32 to index
        %swap3A_156 = arith.index_cast %multiple_of3A : i32 to index
        %swap3A_157 = tpu.vector_load %arg4[%swap3A_155, %swap3A_156] {strides = array<i32>} : memref<1000x128xf32, #tpu.memory_space<vmem>>, vector<1x16xf32>,
        %swap3A_158 = vector.shape_cast %swap3A_157 : vector<1x16xf32> to vector<16xf32>
        %swap3A_159 = vector.shape_cast %select_n3A_154 : vector<16xf32> to vector<1x16xf32>
        tpu.vector_store %arg4[%swap3A_155, %swap3A_156], %swap3A_159 {strides = array<i32>} : memref<1000x128xf32, #tpu.memory_space<vmem>>, vector<1x16xf32>,
        %slice3A_160 = vector.extract_strided_slice %get3A_94 {offsets = [4], sizes = [1], strides = [1]} : vector<16xi32> to vector<1xi32>
        %squeeze3A_161 = vector.extract %slice3A_160[0] : i32 from vector<1xi32>
        %get3A_162 = arith.index_cast %squeeze3A_161 : i32 to index
        %get3A_163 = arith.index_cast %multiple_of3A : i32 to index
        %get3A_164 = tpu.vector_load %arg4[%get3A_162, %get3A_163] {strides = array<i32>} : memref<1000x128xf32, #tpu.memory_space<vmem>>, vector<1x16xf32>,
        %get3A_165 = vector.shape_cast %get3A_164 : vector<1x16xf32> to vector<16xf32>
        %eq3A_166 = arith.constant 4 : i32
        %eq3A_167 = vector.broadcast %eq3A_166 : i32 to vector<16xi32>
        %eq3A_168 = arith.cmpi eq, %iota3A, %eq3A_167 : vector<16xi32>
        %jit3A_169 = arith.constant 1.000000e+01 : f32
        %broadcast_in_dim3A_170 = vector.broadcast %jit3A_169 : f32 to vector<16xf32>
        %select_n3A_171 = arith.select %eq3A_168, %broadcast_in_dim3A_170, %get3A_165 : vector<16xi1>, vector<16xf32>
        %swap3A_172 = arith.index_cast %squeeze3A_161 : i32 to index
        %swap3A_173 = arith.index_cast %multiple_of3A : i32 to index
        %swap3A_174 = tpu.vector_load %arg4[%swap3A_172, %swap3A_173] {strides = array<i32>} : memref<1000x128xf32, #tpu.memory_space<vmem>>, vector<1x16xf32>,
        %swap3A_175 = vector.shape_cast %swap3A_174 : vector<1x16xf32> to vector<16xf32>
        %swap3A_176 = vector.shape_cast %select_n3A_171 : vector<16xf32> to vector<1x16xf32>
        tpu.vector_store %arg4[%swap3A_172, %swap3A_173], %swap3A_176 {strides = array<i32>} : memref<1000x128xf32, #tpu.memory_space<vmem>>, vector<1x16xf32>,
        %slice3A_177 = vector.extract_strided_slice %get3A_94 {offsets = [5], sizes = [1], strides = [1]} : vector<16xi32> to vector<1xi32>
        %squeeze3A_178 = vector.extract %slice3A_177[0] : i32 from vector<1xi32>
        %get3A_179 = arith.index_cast %squeeze3A_178 : i32 to index
        %get3A_180 = arith.index_cast %multiple_of3A : i32 to index
        %get3A_181 = tpu.vector_load %arg4[%get3A_179, %get3A_180] {strides = array<i32>} : memref<1000x128xf32, #tpu.memory_space<vmem>>, vector<1x16xf32>,
        %get3A_182 = vector.shape_cast %get3A_181 : vector<1x16xf32> to vector<16xf32>
        %eq3A_183 = arith.constant 5 : i32
        %eq3A_184 = vector.broadcast %eq3A_183 : i32 to vector<16xi32>
        %eq3A_185 = arith.cmpi eq, %iota3A, %eq3A_184 : vector<16xi32>
        %jit3A_186 = arith.constant 1.000000e+01 : f32
        %broadcast_in_dim3A_187 = vector.broadcast %jit3A_186 : f32 to vector<16xf32>
        %select_n3A_188 = arith.select %eq3A_185, %broadcast_in_dim3A_187, %get3A_182 : vector<16xi1>, vector<16xf32>
        %swap3A_189 = arith.index_cast %squeeze3A_178 : i32 to index
        %swap3A_190 = arith.index_cast %multiple_of3A : i32 to index
        %swap3A_191 = tpu.vector_load %arg4[%swap3A_189, %swap3A_190] {strides = array<i32>} : memref<1000x128xf32, #tpu.memory_space<vmem>>, vector<1x16xf32>,
        %swap3A_192 = vector.shape_cast %swap3A_191 : vector<1x16xf32> to vector<16xf32>
        %swap3A_193 = vector.shape_cast %select_n3A_188 : vector<16xf32> to vector<1x16xf32>
        tpu.vector_store %arg4[%swap3A_189, %swap3A_190], %swap3A_193 {strides = array<i32>} : memref<1000x128xf32, #tpu.memory_space<vmem>>, vector<1x16xf32>,
        %slice3A_194 = vector.extract_strided_slice %get3A_94 {offsets = [6], sizes = [1], strides = [1]} : vector<16xi32> to vector<1xi32>
        %squeeze3A_195 = vector.extract %slice3A_194[0] : i32 from vector<1xi32>
        %get3A_196 = arith.index_cast %squeeze3A_195 : i32 to index
        %get3A_197 = arith.index_cast %multiple_of3A : i32 to index
        %get3A_198 = tpu.vector_load %arg4[%get3A_196, %get3A_197] {strides = array<i32>} : memref<1000x128xf32, #tpu.memory_space<vmem>>, vector<1x16xf32>,
        %get3A_199 = vector.shape_cast %get3A_198 : vector<1x16xf32> to vector<16xf32>
        %eq3A_200 = arith.constant 6 : i32
        %eq3A_201 = vector.broadcast %eq3A_200 : i32 to vector<16xi32>
        %eq3A_202 = arith.cmpi eq, %iota3A, %eq3A_201 : vector<16xi32>
        %jit3A_203 = arith.constant 1.000000e+01 : f32
        %broadcast_in_dim3A_204 = vector.broadcast %jit3A_203 : f32 to vector<16xf32>
        %select_n3A_205 = arith.select %eq3A_202, %broadcast_in_dim3A_204, %get3A_199 : vector<16xi1>, vector<16xf32>
        %swap3A_206 = arith.index_cast %squeeze3A_195 : i32 to index
        %swap3A_207 = arith.index_cast %multiple_of3A : i32 to index
        %swap3A_208 = tpu.vector_load %arg4[%swap3A_206, %swap3A_207] {strides = array<i32>} : memref<1000x128xf32, #tpu.memory_space<vmem>>, vector<1x16xf32>,
        %swap3A_209 = vector.shape_cast %swap3A_208 : vector<1x16xf32> to vector<16xf32>
        %swap3A_210 = vector.shape_cast %select_n3A_205 : vector<16xf32> to vector<1x16xf32>
        tpu.vector_store %arg4[%swap3A_206, %swap3A_207], %swap3A_210 {strides = array<i32>} : memref<1000x128xf32, #tpu.memory_space<vmem>>, vector<1x16xf32>,
        %slice3A_211 = vector.extract_strided_slice %get3A_94 {offsets = [7], sizes = [1], strides = [1]} : vector<16xi32> to vector<1xi32>
        %squeeze3A_212 = vector.extract %slice3A_211[0] : i32 from vector<1xi32>
        %get3A_213 = arith.index_cast %squeeze3A_212 : i32 to index
        %get3A_214 = arith.index_cast %multiple_of3A : i32 to index
        %get3A_215 = tpu.vector_load %arg4[%get3A_213, %get3A_214] {strides = array<i32>} : memref<1000x128xf32, #tpu.memory_space<vmem>>, vector<1x16xf32>,
        %get3A_216 = vector.shape_cast %get3A_215 : vector<1x16xf32> to vector<16xf32>
        %eq3A_217 = arith.constant 7 : i32
        %eq3A_218 = vector.broadcast %eq3A_217 : i32 to vector<16xi32>
        %eq3A_219 = arith.cmpi eq, %iota3A, %eq3A_218 : vector<16xi32>
        %jit3A_220 = arith.constant 1.000000e+01 : f32
        %broadcast_in_dim3A_221 = vector.broadcast %jit3A_220 : f32 to vector<16xf32>
        %select_n3A_222 = arith.select %eq3A_219, %broadcast_in_dim3A_221, %get3A_216 : vector<16xi1>, vector<16xf32>
        %swap3A_223 = arith.index_cast %squeeze3A_212 : i32 to index
        %swap3A_224 = arith.index_cast %multiple_of3A : i32 to index
        %swap3A_225 = tpu.vector_load %arg4[%swap3A_223, %swap3A_224] {strides = array<i32>} : memref<1000x128xf32, #tpu.memory_space<vmem>>, vector<1x16xf32>,
        %swap3A_226 = vector.shape_cast %swap3A_225 : vector<1x16xf32> to vector<16xf32>
        %swap3A_227 = vector.shape_cast %select_n3A_222 : vector<16xf32> to vector<1x16xf32>
        tpu.vector_store %arg4[%swap3A_223, %swap3A_224], %swap3A_227 {strides = array<i32>} : memref<1000x128xf32, #tpu.memory_space<vmem>>, vector<1x16xf32>,
        %slice3A_228 = vector.extract_strided_slice %get3A_94 {offsets = [8], sizes = [1], strides = [1]} : vector<16xi32> to vector<1xi32>
        %squeeze3A_229 = vector.extract %slice3A_228[0] : i32 from vector<1xi32>
        %get3A_230 = arith.index_cast %squeeze3A_229 : i32 to index
        %get3A_231 = arith.index_cast %multiple_of3A : i32 to index
        %get3A_232 = tpu.vector_load %arg4[%get3A_230, %get3A_231] {strides = array<i32>} : memref<1000x128xf32, #tpu.memory_space<vmem>>, vector<1x16xf32>,
        %get3A_233 = vector.shape_cast %get3A_232 : vector<1x16xf32> to vector<16xf32>
        %eq3A_234 = arith.constant 8 : i32
        %eq3A_235 = vector.broadcast %eq3A_234 : i32 to vector<16xi32>
        %eq3A_236 = arith.cmpi eq, %iota3A, %eq3A_235 : vector<16xi32>
        %jit3A_237 = arith.constant 1.000000e+01 : f32
        %broadcast_in_dim3A_238 = vector.broadcast %jit3A_237 : f32 to vector<16xf32>
        %select_n3A_239 = arith.select %eq3A_236, %broadcast_in_dim3A_238, %get3A_233 : vector<16xi1>, vector<16xf32>
        %swap3A_240 = arith.index_cast %squeeze3A_229 : i32 to index
        %swap3A_241 = arith.index_cast %multiple_of3A : i32 to index
        %swap3A_242 = tpu.vector_load %arg4[%swap3A_240, %swap3A_241] {strides = array<i32>} : memref<1000x128xf32, #tpu.memory_space<vmem>>, vector<1x16xf32>,
        %swap3A_243 = vector.shape_cast %swap3A_242 : vector<1x16xf32> to vector<16xf32>
        %swap3A_244 = vector.shape_cast %select_n3A_239 : vector<16xf32> to vector<1x16xf32>
        tpu.vector_store %arg4[%swap3A_240, %swap3A_241], %swap3A_244 {strides = array<i32>} : memref<1000x128xf32, #tpu.memory_space<vmem>>, vector<1x16xf32>,
        %slice3A_245 = vector.extract_strided_slice %get3A_94 {offsets = [9], sizes = [1], strides = [1]} : vector<16xi32> to vector<1xi32>
        %squeeze3A_246 = vector.extract %slice3A_245[0] : i32 from vector<1xi32>
        %get3A_247 = arith.index_cast %squeeze3A_246 : i32 to index
        %get3A_248 = arith.index_cast %multiple_of3A : i32 to index
        %get3A_249 = tpu.vector_load %arg4[%get3A_247, %get3A_248] {strides = array<i32>} : memref<1000x128xf32, #tpu.memory_space<vmem>>, vector<1x16xf32>,
        %get3A_250 = vector.shape_cast %get3A_249 : vector<1x16xf32> to vector<16xf32>
        %eq3A_251 = arith.constant 9 : i32
        %eq3A_252 = vector.broadcast %eq3A_251 : i32 to vector<16xi32>
        %eq3A_253 = arith.cmpi eq, %iota3A, %eq3A_252 : vector<16xi32>
        %jit3A_254 = arith.constant 1.000000e+01 : f32
        %broadcast_in_dim3A_255 = vector.broadcast %jit3A_254 : f32 to vector<16xf32>
        %select_n3A_256 = arith.select %eq3A_253, %broadcast_in_dim3A_255, %get3A_250 : vector<16xi1>, vector<16xf32>
        %swap3A_257 = arith.index_cast %squeeze3A_246 : i32 to index
        %swap3A_258 = arith.index_cast %multiple_of3A : i32 to index
        %swap3A_259 = tpu.vector_load %arg4[%swap3A_257, %swap3A_258] {strides = array<i32>} : memref<1000x128xf32, #tpu.memory_space<vmem>>, vector<1x16xf32>,
        %swap3A_260 = vector.shape_cast %swap3A_259 : vector<1x16xf32> to vector<16xf32>
        %swap3A_261 = vector.shape_cast %select_n3A_256 : vector<16xf32> to vector<1x16xf32>
        tpu.vector_store %arg4[%swap3A_257, %swap3A_258], %swap3A_261 {strides = array<i32>} : memref<1000x128xf32, #tpu.memory_space<vmem>>, vector<1x16xf32>,
        %slice3A_262 = vector.extract_strided_slice %get3A_94 {offsets = [10], sizes = [1], strides = [1]} : vector<16xi32> to vector<1xi32>
        %squeeze3A_263 = vector.extract %slice3A_262[0] : i32 from vector<1xi32>
        %get3A_264 = arith.index_cast %squeeze3A_263 : i32 to index
        %get3A_265 = arith.index_cast %multiple_of3A : i32 to index
        %get3A_266 = tpu.vector_load %arg4[%get3A_264, %get3A_265] {strides = array<i32>} : memref<1000x128xf32, #tpu.memory_space<vmem>>, vector<1x16xf32>,
        %get3A_267 = vector.shape_cast %get3A_266 : vector<1x16xf32> to vector<16xf32>
        %eq3A_268 = arith.constant 10 : i32
        %eq3A_269 = vector.broadcast %eq3A_268 : i32 to vector<16xi32>
        %eq3A_270 = arith.cmpi eq, %iota3A, %eq3A_269 : vector<16xi32>
        %jit3A_271 = arith.constant 1.000000e+01 : f32
        %broadcast_in_dim3A_272 = vector.broadcast %jit3A_271 : f32 to vector<16xf32>
        %select_n3A_273 = arith.select %eq3A_270, %broadcast_in_dim3A_272, %get3A_267 : vector<16xi1>, vector<16xf32>
        %swap3A_274 = arith.index_cast %squeeze3A_263 : i32 to index
        %swap3A_275 = arith.index_cast %multiple_of3A : i32 to index
        %swap3A_276 = tpu.vector_load %arg4[%swap3A_274, %swap3A_275] {strides = array<i32>} : memref<1000x128xf32, #tpu.memory_space<vmem>>, vector<1x16xf32>,
        %swap3A_277 = vector.shape_cast %swap3A_276 : vector<1x16xf32> to vector<16xf32>
        %swap3A_278 = vector.shape_cast %select_n3A_273 : vector<16xf32> to vector<1x16xf32>
        tpu.vector_store %arg4[%swap3A_274, %swap3A_275], %swap3A_278 {strides = array<i32>} : memref<1000x128xf32, #tpu.memory_space<vmem>>, vector<1x16xf32>,
        %slice3A_279 = vector.extract_strided_slice %get3A_94 {offsets = [11], sizes = [1], strides = [1]} : vector<16xi32> to vector<1xi32>
        %squeeze3A_280 = vector.extract %slice3A_279[0] : i32 from vector<1xi32>
        %get3A_281 = arith.index_cast %squeeze3A_280 : i32 to index
        %get3A_282 = arith.index_cast %multiple_of3A : i32 to index
        %get3A_283 = tpu.vector_load %arg4[%get3A_281, %get3A_282] {strides = array<i32>} : memref<1000x128xf32, #tpu.memory_space<vmem>>, vector<1x16xf32>,
        %get3A_284 = vector.shape_cast %get3A_283 : vector<1x16xf32> to vector<16xf32>
        %eq3A_285 = arith.constant 11 : i32
        %eq3A_286 = vector.broadcast %eq3A_285 : i32 to vector<16xi32>
        %eq3A_287 = arith.cmpi eq, %iota3A, %eq3A_286 : vector<16xi32>
        %jit3A_288 = arith.constant 1.000000e+01 : f32
        %broadcast_in_dim3A_289 = vector.broadcast %jit3A_288 : f32 to vector<16xf32>
        %select_n3A_290 = arith.select %eq3A_287, %broadcast_in_dim3A_289, %get3A_284 : vector<16xi1>, vector<16xf32>
        %swap3A_291 = arith.index_cast %squeeze3A_280 : i32 to index
        %swap3A_292 = arith.index_cast %multiple_of3A : i32 to index
        %swap3A_293 = tpu.vector_load %arg4[%swap3A_291, %swap3A_292] {strides = array<i32>} : memref<1000x128xf32, #tpu.memory_space<vmem>>, vector<1x16xf32>,
        %swap3A_294 = vector.shape_cast %swap3A_293 : vector<1x16xf32> to vector<16xf32>
        %swap3A_295 = vector.shape_cast %select_n3A_290 : vector<16xf32> to vector<1x16xf32>
        tpu.vector_store %arg4[%swap3A_291, %swap3A_292], %swap3A_295 {strides = array<i32>} : memref<1000x128xf32, #tpu.memory_space<vmem>>, vector<1x16xf32>,
        %slice3A_296 = vector.extract_strided_slice %get3A_94 {offsets = [12], sizes = [1], strides = [1]} : vector<16xi32> to vector<1xi32>
        %squeeze3A_297 = vector.extract %slice3A_296[0] : i32 from vector<1xi32>
        %get3A_298 = arith.index_cast %squeeze3A_297 : i32 to index
        %get3A_299 = arith.index_cast %multiple_of3A : i32 to index
        %get3A_300 = tpu.vector_load %arg4[%get3A_298, %get3A_299] {strides = array<i32>} : memref<1000x128xf32, #tpu.memory_space<vmem>>, vector<1x16xf32>,
        %get3A_301 = vector.shape_cast %get3A_300 : vector<1x16xf32> to vector<16xf32>
        %eq3A_302 = arith.constant 12 : i32
        %eq3A_303 = vector.broadcast %eq3A_302 : i32 to vector<16xi32>
        %eq3A_304 = arith.cmpi eq, %iota3A, %eq3A_303 : vector<16xi32>
        %jit3A_305 = arith.constant 1.000000e+01 : f32
        %broadcast_in_dim3A_306 = vector.broadcast %jit3A_305 : f32 to vector<16xf32>
        %select_n3A_307 = arith.select %eq3A_304, %broadcast_in_dim3A_306, %get3A_301 : vector<16xi1>, vector<16xf32>
        %swap3A_308 = arith.index_cast %squeeze3A_297 : i32 to index
        %swap3A_309 = arith.index_cast %multiple_of3A : i32 to index
        %swap3A_310 = tpu.vector_load %arg4[%swap3A_308, %swap3A_309] {strides = array<i32>} : memref<1000x128xf32, #tpu.memory_space<vmem>>, vector<1x16xf32>,
        %swap3A_311 = vector.shape_cast %swap3A_310 : vector<1x16xf32> to vector<16xf32>
        %swap3A_312 = vector.shape_cast %select_n3A_307 : vector<16xf32> to vector<1x16xf32>
        tpu.vector_store %arg4[%swap3A_308, %swap3A_309], %swap3A_312 {strides = array<i32>} : memref<1000x128xf32, #tpu.memory_space<vmem>>, vector<1x16xf32>,
        %slice3A_313 = vector.extract_strided_slice %get3A_94 {offsets = [13], sizes = [1], strides = [1]} : vector<16xi32> to vector<1xi32>
        %squeeze3A_314 = vector.extract %slice3A_313[0] : i32 from vector<1xi32>
        %get3A_315 = arith.index_cast %squeeze3A_314 : i32 to index
        %get3A_316 = arith.index_cast %multiple_of3A : i32 to index
        %get3A_317 = tpu.vector_load %arg4[%get3A_315, %get3A_316] {strides = array<i32>} : memref<1000x128xf32, #tpu.memory_space<vmem>>, vector<1x16xf32>,
        %get3A_318 = vector.shape_cast %get3A_317 : vector<1x16xf32> to vector<16xf32>
        %eq3A_319 = arith.constant 13 : i32
        %eq3A_320 = vector.broadcast %eq3A_319 : i32 to vector<16xi32>
        %eq3A_321 = arith.cmpi eq, %iota3A, %eq3A_320 : vector<16xi32>
        %jit3A_322 = arith.constant 1.000000e+01 : f32
        %broadcast_in_dim3A_323 = vector.broadcast %jit3A_322 : f32 to vector<16xf32>
        %select_n3A_324 = arith.select %eq3A_321, %broadcast_in_dim3A_323, %get3A_318 : vector<16xi1>, vector<16xf32>
        %swap3A_325 = arith.index_cast %squeeze3A_314 : i32 to index
        %swap3A_326 = arith.index_cast %multiple_of3A : i32 to index
        %swap3A_327 = tpu.vector_load %arg4[%swap3A_325, %swap3A_326] {strides = array<i32>} : memref<1000x128xf32, #tpu.memory_space<vmem>>, vector<1x16xf32>,
        %swap3A_328 = vector.shape_cast %swap3A_327 : vector<1x16xf32> to vector<16xf32>
        %swap3A_329 = vector.shape_cast %select_n3A_324 : vector<16xf32> to vector<1x16xf32>
        tpu.vector_store %arg4[%swap3A_325, %swap3A_326], %swap3A_329 {strides = array<i32>} : memref<1000x128xf32, #tpu.memory_space<vmem>>, vector<1x16xf32>,
        %slice3A_330 = vector.extract_strided_slice %get3A_94 {offsets = [14], sizes = [1], strides = [1]} : vector<16xi32> to vector<1xi32>
        %squeeze3A_331 = vector.extract %slice3A_330[0] : i32 from vector<1xi32>
        %get3A_332 = arith.index_cast %squeeze3A_331 : i32 to index
        %get3A_333 = arith.index_cast %multiple_of3A : i32 to index
        %get3A_334 = tpu.vector_load %arg4[%get3A_332, %get3A_333] {strides = array<i32>} : memref<1000x128xf32, #tpu.memory_space<vmem>>, vector<1x16xf32>,
        %get3A_335 = vector.shape_cast %get3A_334 : vector<1x16xf32> to vector<16xf32>
        %eq3A_336 = arith.constant 14 : i32
        %eq3A_337 = vector.broadcast %eq3A_336 : i32 to vector<16xi32>
        %eq3A_338 = arith.cmpi eq, %iota3A, %eq3A_337 : vector<16xi32>
        %jit3A_339 = arith.constant 1.000000e+01 : f32
        %broadcast_in_dim3A_340 = vector.broadcast %jit3A_339 : f32 to vector<16xf32>
        %select_n3A_341 = arith.select %eq3A_338, %broadcast_in_dim3A_340, %get3A_335 : vector<16xi1>, vector<16xf32>
        %swap3A_342 = arith.index_cast %squeeze3A_331 : i32 to index
        %swap3A_343 = arith.index_cast %multiple_of3A : i32 to index
        %swap3A_344 = tpu.vector_load %arg4[%swap3A_342, %swap3A_343] {strides = array<i32>} : memref<1000x128xf32, #tpu.memory_space<vmem>>, vector<1x16xf32>,
        %swap3A_345 = vector.shape_cast %swap3A_344 : vector<1x16xf32> to vector<16xf32>
        %swap3A_346 = vector.shape_cast %select_n3A_341 : vector<16xf32> to vector<1x16xf32>
        tpu.vector_store %arg4[%swap3A_342, %swap3A_343], %swap3A_346 {strides = array<i32>} : memref<1000x128xf32, #tpu.memory_space<vmem>>, vector<1x16xf32>,
        %slice3A_347 = vector.extract_strided_slice %get3A_94 {offsets = [15], sizes = [1], strides = [1]} : vector<16xi32> to vector<1xi32>
        %squeeze3A_348 = vector.extract %slice3A_347[0] : i32 from vector<1xi32>
        %get3A_349 = arith.index_cast %squeeze3A_348 : i32 to index
        %get3A_350 = arith.index_cast %multiple_of3A : i32 to index
        %get3A_351 = tpu.vector_load %arg4[%get3A_349, %get3A_350] {strides = array<i32>} : memref<1000x128xf32, #tpu.memory_space<vmem>>, vector<1x16xf32>,
        %get3A_352 = vector.shape_cast %get3A_351 : vector<1x16xf32> to vector<16xf32>
        %eq3A_353 = arith.constant 15 : i32
        %eq3A_354 = vector.broadcast %eq3A_353 : i32 to vector<16xi32>
        %eq3A_355 = arith.cmpi eq, %iota3A, %eq3A_354 : vector<16xi32>
        %jit3A_356 = arith.constant 1.000000e+01 : f32
        %broadcast_in_dim3A_357 = vector.broadcast %jit3A_356 : f32 to vector<16xf32>
        %select_n3A_358 = arith.select %eq3A_355, %broadcast_in_dim3A_357, %get3A_352 : vector<16xi1>, vector<16xf32>
        %swap3A_359 = arith.index_cast %squeeze3A_348 : i32 to index
        %swap3A_360 = arith.index_cast %multiple_of3A : i32 to index
        %swap3A_361 = tpu.vector_load %arg4[%swap3A_359, %swap3A_360] {strides = array<i32>} : memref<1000x128xf32, #tpu.memory_space<vmem>>, vector<1x16xf32>,
        %swap3A_362 = vector.shape_cast %swap3A_361 : vector<1x16xf32> to vector<16xf32>
        %swap3A_363 = vector.shape_cast %select_n3A_358 : vector<16xf32> to vector<1x16xf32>
        tpu.vector_store %arg4[%swap3A_359, %swap3A_360], %swap3A_363 {strides = array<i32>} : memref<1000x128xf32, #tpu.memory_space<vmem>>, vector<1x16xf32>,
      }
      %scan3A_58 = arith.constant 8 : i32
      %mul3A_59 = arith.constant 128 : i32
      %mul3A_60 = arith.muli %scan3A_30, %mul3A_59 : i32
      %add3A_61 = arith.addi %mul3A_2, %mul3A_60 : i32
      %dma_start3A_62 = arith.constant 0 : i32
      %dma_start3A_63 = tpu.memref_slice %arg3[%dma_start3A_62, %add3A_61] : memref<1000x16384xf32, #tpu.memory_space<hbm>> -> memref<1000x128xf32, #tpu.memory_space<hbm>>
      %dma_start3A_64 = arith.constant 0 : i32
      %dma_start3A_65 = tpu.memref_slice %arg3[%dma_start3A_64, %add3A_61] : memref<1000x16384xf32, #tpu.memory_space<hbm>> -> memref<1000x128xf32, #tpu.memory_space<hbm>>
      tpu.enqueue_dma source(%arg4 : memref<1000x128xf32, #tpu.memory_space<vmem>>) target(%dma_start3A_65 : memref<1000x128xf32, #tpu.memory_space<hbm>>) target_semaphore(%arg6 : memref<!tpu.dma_semaphore, #tpu.memory_space<semaphore_mem>>)
      %add3A_66 = arith.constant 1 : i32
      %add3A_67 = arith.addi %scan3A_30, %add3A_66 : i32
      %lt3A_68 = arith.constant 4 : i32
      %lt3A_69 = arith.cmpi slt, %add3A_67, %lt3A_68 : i32
      %convert_element_type3A_70 = arith.extui %lt3A_69 : i1 to i32
      %cond3A_71 = arith.constant 0 : i32
      %cond3A_72 = arith.cmpi ne, %convert_element_type3A_70, %cond3A_71 : i32
      scf.if %cond3A_72 {
        %add3A_73 = arith.constant 1 : i32
        %add3A_74 = arith.addi %scan3A_30, %add3A_73 : i32
        %mul3A_75 = arith.constant 128 : i32
        %mul3A_76 = arith.muli %add3A_74, %mul3A_75 : i32
        %add3A_77 = arith.addi %mul3A_2, %mul3A_76 : i32
        %jit3A_78 = arith.constant 2 : i32
        %eq3A_79 = arith.constant 0 : i32
        %eq3A_80 = arith.cmpi eq, %jit3A_78, %eq3A_79 : i32
        %jit3A_81 = arith.constant 1 : i32
        %select_n3A_82 = arith.select %eq3A_80, %jit3A_81, %jit3A_78 : i32
        %rem3A_83 = arith.remsi %add3A_74, %select_n3A_82 : i32
        %ne3A_84 = arith.constant 0 : i32
        %ne3A_85 = arith.cmpi ne, %rem3A_83, %ne3A_84 : i32
        %lt3A_86 = arith.constant 0 : i32
        %lt3A_87 = arith.cmpi slt, %rem3A_83, %lt3A_86 : i32
        %lt3A_88 = arith.constant 0 : i32
        %lt3A_89 = arith.cmpi slt, %select_n3A_82, %lt3A_88 : i32
        %ne3A_90 = arith.xori %lt3A_87, %lt3A_89 : i1
        %and3A_91 = arith.andi %ne3A_90, %ne3A_85 : i1
        %add3A_92 = arith.addi %rem3A_83, %select_n3A_82 : i32
        %select_n3A_93 = arith.select %and3A_91, %add3A_92, %rem3A_83 : i32
        %dma_start3A_94 = arith.constant 0 : i32
        %dma_start3A_95 = tpu.memref_slice %arg5[%select_n3A_93, %dma_start3A_94] : memref<2x128xi32, #tpu.memory_space<vmem>> -> memref<1x128xi32, #tpu.memory_space<vmem>>
        %dma_start3A_96 = tpu.memref_squeeze %dma_start3A_95 : memref<1x128xi32, #tpu.memory_space<vmem>> -> memref<128xi32, #tpu.memory_space<vmem>>
        %dma_start3A_97 = tpu.memref_slice %arg2[%add3A_77] : memref<16384xi32, #tpu.memory_space<hbm>> -> memref<128xi32, #tpu.memory_space<hbm>>
        %dma_start3A_98 = arith.constant 0 : i32
        %dma_start3A_99 = tpu.memref_slice %arg5[%select_n3A_93, %dma_start3A_98] : memref<2x128xi32, #tpu.memory_space<vmem>> -> memref<1x128xi32, #tpu.memory_space<vmem>>
        %dma_start3A_100 = tpu.memref_squeeze %dma_start3A_99 : memref<1x128xi32, #tpu.memory_space<vmem>> -> memref<128xi32, #tpu.memory_space<vmem>>
        %dma_start3A_101 = tpu.memref_slice %arg2[%add3A_77] : memref<16384xi32, #tpu.memory_space<hbm>> -> memref<128xi32, #tpu.memory_space<hbm>>
        tpu.enqueue_dma source(%dma_start3A_101 : memref<128xi32, #tpu.memory_space<hbm>>) target(%dma_start3A_100 : memref<128xi32, #tpu.memory_space<vmem>>) target_semaphore(%arg8 : memref<!tpu.dma_semaphore, #tpu.memory_space<semaphore_mem>>)
      } else {
      }
    }
    %scan3A_24 = arith.constant 4 : i32
    %dma_wait3A = arith.constant 0 : i32
    %dma_wait3A_25 = arith.constant 0 : i32
    %dma_wait3A_26 = tpu.memref_slice %arg3[%dma_wait3A, %dma_wait3A_25] : memref<1000x16384xf32, #tpu.memory_space<hbm>> -> memref<1000x128xf32, #tpu.memory_space<hbm>>
    %dma_wait3A_27 = arith.constant 0 : i32
    %dma_wait3A_28 = arith.constant 0 : i32
    %dma_wait3A_29 = tpu.memref_slice %arg3[%dma_wait3A_27, %dma_wait3A_28] : memref<1000x16384xf32, #tpu.memory_space<hbm>> -> memref<1000x128xf32, #tpu.memory_space<hbm>>
    tpu.wait_dma2 semaphore(%arg6 : memref<!tpu.dma_semaphore, #tpu.memory_space<semaphore_mem>>) src(%arg4 : memref<1000x128xf32, #tpu.memory_space<vmem>>) dst(%dma_wait3A_29 : memref<1000x128xf32, #tpu.memory_space<hbm>>)
    return
  }
}

</mosaic_0001>

<sc_bundles>
// kernel: kernel.3.cloned.1.call-start
scs
__scs_entry_jumppad:
0x0: {  	(pc) =	sbr.rel $0x88, $3  }
0x1: {  	(tag) =	ssettag $0x0;
	lr =	simm.s32 $0x1  }
0x2: {  	[smem:$0x3FA0] =	sst lr;
	_ =	strace $0xD0000000  }
0x3: {  	_ = 	snop  }
0x4: {  	_ = 	snop  }
0x5: {  	_ = 	snop  }
0x6: {  	_ = 	snop  }
0x7: {  	_ = 	snop  }
__scs_overlays_trampoline_lowered:
0x8: {  	[smem:$0x3FAF] =	sst s0  }
0x9: {  	[smem:$0x3FB0] =	sst s1  }
0xa: {  	[smem:$0x3FB1] =	sst s2  }
0xb: {  	[smem:$0x3FB2] =	sst s3  }
0xc: {  	[smem:$0x3FB3] =	sst s4  }
0xd: {  	[smem:$0x3FB4] =	sst s5  }
0xe: {  	[smem:$0x3FB5] =	sst s6  }
0xf: {  	[smem:$0x3FB6] =	sst s7  }
0x10: {  	[smem:$0x3FB7] =	sst s8  }
0x11: {  	[smem:$0x3FB8] =	sst s9;
	s0 =	simm.s32 @!p0 $0x0  }
0x12: {  	s1 =	sld [smem:$0x3F9E];
	s0 =	simm.s32 @p0 $0x1  }
0x13: {  	[smem:$0x3FB9] =	sst s0;
	s0 =	simm.s32 @!p1 $0x0  }
0x14: {  	s2 =	sld [smem:$0x3F9D];
	s0 =	simm.s32 @p1 $0x1  }
0x15: {  	[smem:$0x3FBA] =	sst s0;
	s0 =	simm.s32 @!p2 $0x0  }
0x16: {  	s3 =	sld [smem:$0x3FDB];
	s0 =	simm.s32 @p2 $0x1  }
0x17: {  	s4 =	simm.s32 $0x1BF5;
	[smem:$0x3FBC] =	sst s0  }
0x18: {  	s0 =	sld [smem:$0x3F9F];
	_ =	swait.ge [sflag:s4], $0x0  }
0x19: {  	s7 =	sld [smem:$0x3FA0]  }
0x1a: {  	s8 =	sadd.s32 $0xFFFFE003, lr  }
0x1b: {  	s9 =	sadd.s32 $0xFFFFFEF7, lr;
	s5 =	simm.s32 $0xFFFFFFFF;
	p2 =	slt.u32 s8, $0xFFFFF086  }
0x1c: {  	p1 =	slt.u32 s9, $0xF7A;
	s5 =	simm.s32 @!p2 $0x0  }
0x1d: {  	s5 =	simm.s32 @p1 $0x1;
	p0 =	seq.s32 s7, s2  }
0x1e: {  	s7 =	smul.u32 @!p0 $0xF7A, s2;
	p2 =	seq.s32 @!p0 s5, $0x0  }
0x1f: {  	s9 =	smul.u32 $0xF7A, s1;
	s8 =	simm.s32 @!p0 $0x1BF5;
	p2 =	por !p2, p0  }
0x20: {  	[sflag:s8] =	ssyncset.s32 @!p0 $0xFFFFF086;
	s6 =	sadd.s32 @!p0 s3, s7;
	s7 =	simm.s32 @!p0 $0x108  }
0x21: {  	s3 =	sadd.s32 s3, s9;
	s6 =	sadd.s32 @!p0 $0x88, s6;
	s7 =	simm.s32 @p2 $0x1082  }
0x22: {  	[simem:s7], [sflag:s8] =	dma.local @!p0 [hbm:s6], $0xF7A  }
0x23: {  	s9 =	sor.u32 $0xD0000000, s2;
	s6 =	simm.s32 $0x108;
	_ =	swait.ge @!p0 [sflag:s8], $0x0  }
0x24: {  	s3 =	sadd.s32 $0x88, s3;
	s6 =	simm.s32 @!p1 $0x1082;
	[sflag:s4] =	ssyncset.s32 $0xFFFFF086  }
0x25: {  	[simem:s6], [sflag:s4] =	dma.local [hbm:s3], $0xF7A  }
0x26: {  	[smem:$0x3FA0] =	sst s1;
	(tag) =	ssettag s2;
	_ =	strace s9  }
0x27: {  	s1 =	sld [smem:$0x3FB0]  }
0x28: {  	s2 =	sld [smem:$0x3FB1]  }
0x29: {  	s4 =	sld [smem:$0x3FB3]  }
0x2a: {  	p0 =	seq.s32 s5, $0x0;
	s5 =	sld [smem:$0x3FB4]  }
0x2b: {  	s6 =	sld [smem:$0x3FB5]  }
0x2c: {  	s7 =	sld [smem:$0x3FB6]  }
0x2d: {  	s3 =	simm.s32 $0x108;
	s8 =	sld [smem:$0x3FB7]  }
0x2e: {  	s3 =	simm.s32 @!p0 $0x1082;
	s9 =	sld [smem:$0x3FB8]  }
0x2f: {  	lr =	sadd.s32 s0, s3;
	s0 =	sld [smem:$0x3FAF]  }
0x30: {  	s3 =	sld [smem:$0x3FB2]  }
0x31: {  	[smem:$0x3FBB] =	sst s10  }
0x32: {  	s10 =	sld [smem:$0x3FB9];
	_ =	sdelay $0x3  }
0x33: {  	p0 =	seq.s32 s10, $0x1;
	s10 =	sld [smem:$0x3FBB];
	_ =	sdelay $0x3  }
0x34: {  	[smem:$0x3FBB] =	sst s10  }
0x35: {  	s10 =	sld [smem:$0x3FBA];
	_ =	sdelay $0x3  }
0x36: {  	p1 =	seq.s32 s10, $0x1;
	s10 =	sld [smem:$0x3FBB];
	_ =	sdelay $0x3  }
0x37: {  	[smem:$0x3FBB] =	sst s10  }
0x38: {  	s10 =	sld [smem:$0x3FBC]  }
0x39: {  	_ = 	snop;
	(pc) =	sbr.ind lr, $3  }
0x3a: {  	_ = 	snop  }
0x3b: {  	_ = 	snop  }
0x3c: {  	p2 =	seq.s32 s10, $0x1;
	s10 =	sld [smem:$0x3FBB]  }
0x3d: {  	_ =	shalt  }
0x3e: {  	_ =	shalt  }
0x3f: {  	_ =	shalt  }
0x40: {  	_ =	shalt  }
0x41: {  	_ =	shalt  }
0x42: {  	_ =	shalt  }
0x43: {  	_ =	shalt  }
0x44: {  	_ =	shalt  }
0x45: {  	_ =	shalt  }
0x46: {  	_ =	shalt  }
0x47: {  	_ =	shalt  }
0x48: {  	_ =	shalt  }
0x49: {  	_ =	shalt  }
0x4a: {  	_ =	shalt  }
0x4b: {  	_ =	shalt  }
0x4c: {  	_ =	shalt  }
0x4d: {  	_ =	shalt  }
0x4e: {  	_ =	shalt  }
0x4f: {  	_ =	shalt  }
0x50: {  	_ =	shalt  }
0x51: {  	_ =	shalt  }
0x52: {  	_ =	shalt  }
0x53: {  	_ =	shalt  }
0x54: {  	_ =	shalt  }
0x55: {  	_ =	shalt  }
0x56: {  	_ =	shalt  }
0x57: {  	_ =	shalt  }
0x58: {  	_ =	shalt  }
0x59: {  	_ =	shalt  }
0x5a: {  	_ =	shalt  }
0x5b: {  	_ =	shalt  }
0x5c: {  	_ =	shalt  }
0x5d: {  	_ =	shalt  }
0x5e: {  	_ =	shalt  }
0x5f: {  	_ =	shalt  }
0x60: {  	_ =	shalt  }
0x61: {  	_ =	shalt  }
0x62: {  	_ =	shalt  }
0x63: {  	_ =	shalt  }
0x64: {  	_ =	shalt  }
0x65: {  	_ =	shalt  }
0x66: {  	_ =	shalt  }
0x67: {  	_ =	shalt  }
0x68: {  	_ =	shalt  }
0x69: {  	_ =	shalt  }
0x6a: {  	_ =	shalt  }
0x6b: {  	_ =	shalt  }
0x6c: {  	_ =	shalt  }
0x6d: {  	_ =	shalt  }
0x6e: {  	_ =	shalt  }
0x6f: {  	_ =	shalt  }
0x70: {  	_ =	shalt  }
0x71: {  	_ =	shalt  }
0x72: {  	_ =	shalt  }
0x73: {  	_ =	shalt  }
0x74: {  	_ =	shalt  }
0x75: {  	_ =	shalt  }
0x76: {  	_ =	shalt  }
0x77: {  	_ =	shalt  }
0x78: {  	_ =	shalt  }
0x79: {  	_ =	shalt  }
0x7a: {  	_ =	shalt  }
0x7b: {  	_ =	shalt  }
0x7c: {  	_ =	shalt  }
0x7d: {  	_ =	shalt  }
0x7e: {  	_ =	shalt  }
0x7f: {  	_ =	shalt  }
0x80: {  	_ =	shalt  }
0x81: {  	_ =	shalt  }
0x82: {  	_ =	shalt  }
0x83: {  	_ =	shalt  }
0x84: {  	_ =	shalt  }
0x85: {  	_ =	shalt  }
0x86: {  	_ =	shalt  }
0x87: {  	_ =	shalt  }
.Lfunc_end0:
.L_simem_size_0:
called_computation_lowered:
.L_overlay_start_0:
0x88: {  	s2 =	sld [smem:$0x3FD9]  }
0x89: {  	s3 =	sld [smem:$0x3FFE];
	_ =	sdelay $0x1  }
0x8a: {  	s1 =	srdreg.scid  }
0x8b: {  	s0 =	sand.u32 $0x1, s1  }
0x8c: {  	s17 =	sshll.u32 s0, $0xA;
	s2 =	sadd.s32 s3, s2  }
0x8d: {  	s2 =	sadd.s32 s2, s17  }
0x8e: {  	[smem:$0x3FC7] =	sst s2  }
0x8f: {  	_ = 	snop  }
0x90: {  	s2 =	sld [smem:$0x3FD0];
	(tm) =	ssettm $0x1  }
0x91: {  	s18 =	sld [smem:$0x3FFB];
	_ =	sdelay $0x3  }
0x92: {  	_ =	strace s18  }
0x93: {  	s3 =	sld [smem:$0x3FFC];
	_ =	sdelay $0x3  }
0x94: {  	_ =	strace s3  }
0x95: {  	s3 =	sld [smem:$0x3FFD];
	_ =	sdelay $0x3  }
0x96: {  	_ =	strace s3  }
0x97: {  	_ =	strace $0x8FFFFFFF  }
0x98: {  	s19 =	sld [smem:$0x3FDB];
	_ =	sdelay $0x1  }
0x99: {  	s4 =	simm.s32 $_scs_section_size  }
0x9a: {  	s5 =	simm.s32 $_size__tile_overlayer_lowered;
	s6 =	simm.s32 $_tile_overlayer_lowered  }
0x9b: {  	s22 =	simm.s32 $0x1BFF;
	s21 =	sshll.u32 s6, $0x1;
	s3 =	sadd.s32 s4, s19  }
0x9c: {  	s7 =	simm.s32 $0x0;
	s20 =	sshll.u32 s5, $0x1;
	s5 =	sadd.s32 s21, s3  }
0x9d: {  	[timem:s7], [sflag:s22] =	dma.local [hbm:s5], s20  }
0x9e: {  	_ =	swait.ge [sflag:s22], s20  }
0x9f: {  	s4 =	ssub.s32 $0x0, s20;
	[sflag:s22] =	ssyncset.done $0x0  }
0xa0: {  	[sflag:s22] =	ssyncadd.s32 s4;
	_ =	sdelay $0x1  }
0xa1: {  	s23 =	simm.s32 $0x1B8B  }
0xa2: {  	_ =	swait.ge [sflag:s23], $0x1  }
0xa3: {  	[sflag:s23] =	ssyncset.done $0x0  }
0xa4: {  	s25 =	simm.s32 $0x1B8E;
	s24 =	sld [smem:$0x3FFE];
	[sflag:s23] =	ssyncadd.s32 $0xFFFFFFFF  }
0xa5: {  	s26 =	simm.s32 $execute0_lowered;
	[smem:$0x3FD2] =	sst s25  }
0xa6: {  	s5 =	sshll.u32 s26, $0x1;
	_ =	strace $0x80000046;
	[dreg:$0x1] =	wrdreg $0xFFFFFFFF  }
0xa7: {  	s28 =	simm.s32 $_size_execute0_lowered;
	s3 =	sadd.s32 s3, s5;
	[dreg:$0x0] =	wrdreg $0x0  }
0xa8: {  	s5 =	sshll.u32 s28, $0x1;
	[dreg:$0x2] =	wrdreg s3  }
0xa9: {  	[dreg:$0x3] =	wrdreg s5  }
0xaa: {  	[dreg:$0x4] =	wrdreg $0xC0  }
0xab: {  	_ =	task [dreg:s7], $0x5FFFF  }
0xac: {  	[dreg:$0x1] =	wrdreg $0xFFFFFFFF  }
0xad: {  	[dreg:$0x0] =	wrdreg $0x60  }
0xae: {  	[dreg:$0x2] =	wrdreg s24  }
0xaf: {  	[dreg:$0x3] =	wrdreg s2  }
0xb0: {  	[dreg:$0x4] =	wrdreg $0x9  }
0xb1: {  	_ =	task.clear_ibuf [dreg:s7], $0x5FFFF;
	_ =	strace $0x90000046  }
0xb2: {  	s29 =	simm.s32 $0x9;
	_ =	strace $0x80000048  }
0xb3: {  	_ =	swait.ge [sflag:s29], $0x1  }
0xb4: {  	[sflag:s29] =	ssyncadd.s32 $0xFFFFFFFF  }
0xb5: {  	_ =	strace $0x90000048  }
0xb6: {  	_ =	sfence  }
0xb7: {  	s30 =	sld [smem:$0x0];
	_ =	sdelay $0x2  }
0xb8: {  	s31 =	sshll.u32 s1, $0xD;
	s1 =	sshrl.u32 s1, $0x2  }
0xb9: {  	s3 =	sand.u32 $0x4000, s31;
	s1 =	sadd.s32 s1, s30  }
0xba: {  	s0 =	sor.u32 s3, s0;
	s1 =	sshll.u32 s1, $0x11  }
0xbb: {  	s0 =	sor.u32 s1, s0  }
0xbc: {  	s0 =	sadd.s32 $0x8F2B, s0  }
0xbd: {  	[sflag:s0] =	ssyncadd.remote.s32 $0x1  }
0xbe: {  	_ =	sfence.sel $0xFFFF  }
0xbf: {  	[dreg:$0x0] =	wrdreg $0xFFFFFFFF;
	(pc) =	sbr.abs _section_cstart, $3  }
0xc0: {  	[dreg:$0x1] =	wrdreg $0xFFFFFFFF  }
0xc1: {  	_ =	task.clear_ibuf [dreg:s7], $0x2FFFF;
	_ =	strace $0x9FFFFFFF  }
0xc2: {  	(tm) =	ssettm $0x7FFFFFFF  }
0xc3: {  	_ =	shalt  }
tec
execute0_lowered:
.L_overlay_start_1:
0x0: {  	(tag) =	ssettag $0x1  }
0x1: {  	s4 =	rddreg [dreg:$0x0]  }
0x2: {  	s6 =	rddreg [dreg:$0x1]  }
0x3: {  	s0 =	rddreg [dreg:$0x2];
	s2 =	simm.s32 $0x0;
	s3 =	srdreg.scid  }
0x4: {  	s1 =	stileid.u32;
	s9 =	simm.s32 $0x2;
	s10 =	simm.s32 $0x400  }
0x5: {  	s11 =	simm.s32 $0x20000;
	s12 =	simm.s32 $0x1;
	s13 =	simm.s32 $0x0  }
0x6: {  	[smem:$0x7FF] =	sst s2;
	s3 =	sand.u32 $0x1, s3;
	s7 =	sshll.u32 s1, $0x9  }
0x7: {  	s4 =	sadd.s32 $0x400, s4;
	s5 =	ssub.s32 $0x2, s3;
	s3 =	sshll.u32 s3, $0xD  }
0x8: {  	_ =	strace $0x80000047;
	s8 =	sshrl.u32 s5, $0x1;
	s3 =	sor.u32 s7, s3  }
0x9: {  	s30 =	ssub.s32 s5, s8;
	s31 =	sshrl.u32 s3, $0x3;
	s6 =	sadd.s32 s6, s3  }
0xa: {  	v0 =	vimm.f32 $-1.000000000e+01;
	v1 =	vlaneseq.u32;
	s8 =	simm.s32 $0x1F400;
	s5 =	sadd.s32 s4, s31;
	s7 =	smax.u32 s30, $0x1  }
.LBB2_1:
0xb: {  	[tilespmem:s8], [sflag:$0x2] =	stream.linear.gather [hbm4b:s5+s2], $0x80, $0x38;
	[tilespmem:$0x1F500] =	vst v63  }
0xc: {  	s14 =	simm.s32 $0x100  }
0xd: {  	[tilespmem:s14+$0xFFFFFF00] =	vst v0  }
0xe: {  	[tilespmem:s14+$0xF0] =	vst v0  }
0xf: {  	[tilespmem:s14+$0xE0] =	vst v0  }
0x10: {  	[tilespmem:s14+$0xD0] =	vst v0  }
0x11: {  	[tilespmem:s14+$0xC0] =	vst v0  }
0x12: {  	[tilespmem:s14+$0xB0] =	vst v0  }
0x13: {  	[tilespmem:s14+$0xA0] =	vst v0  }
0x14: {  	[tilespmem:s14+$0x90] =	vst v0  }
0x15: {  	[tilespmem:s14+$0x80] =	vst v0  }
0x16: {  	[tilespmem:s14+$0x70] =	vst v0  }
0x17: {  	[tilespmem:s14+$0x60] =	vst v0  }
0x18: {  	[tilespmem:s14+$0x50] =	vst v0  }
0x19: {  	[tilespmem:s14+$0x40] =	vst v0  }
0x1a: {  	[tilespmem:s14+$0x30] =	vst v0  }
0x1b: {  	[tilespmem:s14+$0x20] =	vst v0  }
0x1c: {  	[tilespmem:s14+$0x10] =	vst v0  }
0x1d: {  	[tilespmem:s14+$0x0] =	vst v0  }
0x1e: {  	[tilespmem:s14+$0xFFFFFFF0] =	vst v0  }
0x1f: {  	[tilespmem:s14+$0xFFFFFFE0] =	vst v0  }
0x20: {  	[tilespmem:s14+$0xFFFFFFD0] =	vst v0  }
0x21: {  	[tilespmem:s14+$0xFFFFFFC0] =	vst v0  }
0x22: {  	[tilespmem:s14+$0xFFFFFFB0] =	vst v0  }
0x23: {  	[tilespmem:s14+$0xFFFFFFA0] =	vst v0  }
0x24: {  	[tilespmem:s14+$0xFFFFFF90] =	vst v0  }
0x25: {  	[tilespmem:s14+$0xFFFFFF80] =	vst v0  }
0x26: {  	[tilespmem:s14+$0xFFFFFF70] =	vst v0  }
0x27: {  	[tilespmem:s14+$0xFFFFFF60] =	vst v0  }
0x28: {  	[tilespmem:s14+$0xFFFFFF50] =	vst v0  }
0x29: {  	[tilespmem:s14+$0xFFFFFF40] =	vst v0  }
0x2a: {  	[tilespmem:s14+$0xFFFFFF30] =	vst v0  }
0x2b: {  	s15 =	simm.s32 $0x0;
	[tilespmem:s14+$0xFFFFFF20] =	vst v0  }
.LBB2_2:
0x2c: {  	s15 =	sadd.s32 $0x4, s15;
	[tilespmem:s14+$0xFFFFFF10] =	vst v0;
	s14 =	sadd.s32 $0x200, s14  }
0x2d: {  	[tilespmem:s14+$0xFFFFFF00] =	vst v0;
	p0 =	slt.u32 s15, $0x3E4  }
0x2e: {  	[tilespmem:s14+$0xF0] =	vst v0  }
0x2f: {  	[tilespmem:s14+$0xE0] =	vst v0  }
0x30: {  	[tilespmem:s14+$0xD0] =	vst v0  }
0x31: {  	[tilespmem:s14+$0xC0] =	vst v0  }
0x32: {  	[tilespmem:s14+$0xB0] =	vst v0  }
0x33: {  	[tilespmem:s14+$0xA0] =	vst v0  }
0x34: {  	[tilespmem:s14+$0x90] =	vst v0  }
0x35: {  	[tilespmem:s14+$0x80] =	vst v0  }
0x36: {  	[tilespmem:s14+$0x70] =	vst v0  }
0x37: {  	[tilespmem:s14+$0x60] =	vst v0  }
0x38: {  	[tilespmem:s14+$0x50] =	vst v0  }
0x39: {  	[tilespmem:s14+$0x40] =	vst v0  }
0x3a: {  	[tilespmem:s14+$0x30] =	vst v0  }
0x3b: {  	[tilespmem:s14+$0x20] =	vst v0  }
0x3c: {  	[tilespmem:s14+$0x10] =	vst v0  }
0x3d: {  	[tilespmem:s14+$0x0] =	vst v0  }
0x3e: {  	[tilespmem:s14+$0xFFFFFFF0] =	vst v0  }
0x3f: {  	[tilespmem:s14+$0xFFFFFFE0] =	vst v0  }
0x40: {  	[tilespmem:s14+$0xFFFFFFD0] =	vst v0  }
0x41: {  	[tilespmem:s14+$0xFFFFFFC0] =	vst v0  }
0x42: {  	[tilespmem:s14+$0xFFFFFFB0] =	vst v0  }
0x43: {  	[tilespmem:s14+$0xFFFFFFA0] =	vst v0  }
0x44: {  	[tilespmem:s14+$0xFFFFFF90] =	vst v0  }
0x45: {  	[tilespmem:s14+$0xFFFFFF80] =	vst v0  }
0x46: {  	[tilespmem:s14+$0xFFFFFF70] =	vst v0  }
.Ltmp0:
0x47: {  	[tilespmem:s14+$0xFFFFFF60] =	vst v0;
	(pc) =	sbr.rel @p0 .LBB2_2-.Ltmp0, $4  }
0x48: {  	[tilespmem:s14+$0xFFFFFF50] =	vst v0  }
0x49: {  	[tilespmem:s14+$0xFFFFFF40] =	vst v0  }
0x4a: {  	[tilespmem:s14+$0xFFFFFF30] =	vst v0  }
0x4b: {  	[tilespmem:s14+$0xFFFFFF20] =	vst v0  }
0x4c: {  	[tilespmem:s14+$0xFFFFFF10] =	vst v0;
	s14 =	simm.s32 $0x0  }
.LBB2_4:
0x4d: {  	p0 =	seq.s32 s14, $0x0  }
.Ltmp1:
0x4e: {  	_ = 	snop;
	(pc) =	sbr.rel @p0 .LBB2_8-.Ltmp1, $2  }
0x4f: {  	_ =	sdelay $0x2  }
0x50: {  	s16 =	simm.s32 $0x0;
	s15 =	simm.s32 $0x0  }
0x51: {  	s15 =	sshll.u32 s14, $0x7  }
0x52: {  	s16 =	sand.u32 $0x80, s15  }
0x53: {  	s17 =	sxor.u32 $0x80, s16  }
0x54: {  	s17 =	sor.u32 $0x1F400, s17  }
0x55: {  	v2 =	vmov s17;
	_ =	sdelay $0x1  }
0x56: {  	_ =	swait.ge [sflag:s12], $0x1F400  }
0x57: {  	[sflag:s12] =	ssyncset.done $0x0  }
0x58: {  	s30 =	simm.s32 $0x0;
	[sflag:s12] =	ssyncadd.s32 $0xFFFE0C00  }
0x59: {  	v3 =	vld.idx.msk [tilespmem:v2+s30+$0x0 ss:$0x1], $0xffff;
	_ =	sdelay $0x4  }
0x5a: {  	v3 =	vshll.u32 v3, $0x9  }
0x5b: {  	v3 =	vshra.s32 v3, $0x2  }
0x5c: {  	v3 =	vadd.s32 s30, v3  }
0x5d: {  	(v2sf) =	vpush v3, $0x0  }
0x5e: {  	(v2sf) =	vpush v3, $0x1  }
0x5f: {  	(v2sf) =	vpush v3, $0x2  }
0x60: {  	(v2sf) =	vpush v3, $0x3  }
0x61: {  	(v2sf) =	vpush v3, $0x4  }
0x62: {  	(v2sf) =	vpush v3, $0x5  }
0x63: {  	(v2sf) =	vpush v3, $0x6  }
0x64: {  	(v2sf) =	vpush v3, $0x7  }
0x65: {  	(v2sf) =	vpush v3, $0x8  }
0x66: {  	(v2sf) =	vpush v3, $0x9  }
0x67: {  	(v2sf) =	vpush v3, $0xA  }
0x68: {  	(v2sf) =	vpush v3, $0xB  }
0x69: {  	(v2sf) =	vpush v3, $0xC  }
0x6a: {  	(v2sf) =	vpush v3, $0xD  }
0x6b: {  	(v2sf) =	vpush v3, $0xE  }
0x6c: {  	s31 =	spop (v2sf);
	(v2sf) =	vpush v3, $0xF  }
0x6d: {  	[tilespmem:s31+$0x0] =	vst v0;
	s18 =	spop (v2sf)  }
0x6e: {  	[tilespmem:s18+$0x0] =	vst v0;
	s19 =	spop (v2sf)  }
0x6f: {  	[tilespmem:s19+$0x0] =	vst v0;
	s20 =	spop (v2sf)  }
0x70: {  	[tilespmem:s20+$0x0] =	vst v0;
	s21 =	spop (v2sf)  }
0x71: {  	[tilespmem:s21+$0x0] =	vst v0;
	s22 =	spop (v2sf)  }
0x72: {  	[tilespmem:s22+$0x0] =	vst v0;
	s23 =	spop (v2sf)  }
0x73: {  	[tilespmem:s23+$0x0] =	vst v0;
	s24 =	spop (v2sf)  }
0x74: {  	[tilespmem:s24+$0x0] =	vst v0;
	s25 =	spop (v2sf)  }
0x75: {  	[tilespmem:s25+$0x0] =	vst v0;
	s26 =	spop (v2sf)  }
0x76: {  	[tilespmem:s26+$0x0] =	vst v0;
	s28 =	spop (v2sf)  }
0x77: {  	[tilespmem:s28+$0x0] =	vst v0;
	s29 =	spop (v2sf)  }
0x78: {  	[tilespmem:s29+$0x0] =	vst v0;
	s30 =	spop (v2sf)  }
0x79: {  	[tilespmem:s30+$0x0] =	vst v0;
	s31 =	spop (v2sf)  }
0x7a: {  	[tilespmem:s31+$0x0] =	vst v0;
	s19 =	spop (v2sf)  }
0x7b: {  	s17 =	simm.s32 $0x40;
	s18 =	simm.s32 $0x80;
	[tilespmem:s19+$0x0] =	vst v0;
	s19 =	spop (v2sf)  }
.LBB2_6:
0x7c: {  	p0 =	sne.s32 s18, $0x1C0  }
0x7d: {  	s20 =	sshra.s32 s17, $0x2;
	[tilespmem:s19+$0x0] =	vst v0;
	s17 =	smov.u32 s18;
	s18 =	sadd.s32 $0x40, s18  }
0x7e: {  	v3 =	vld.idx.msk [tilespmem:v2+s20+$0x0 ss:$0x1], $0xffff;
	_ =	sdelay $0x5  }
0x7f: {  	v3 =	vshll.u32 v3, $0x9  }
0x80: {  	v3 =	vshra.s32 v3, $0x2  }
0x81: {  	v3 =	vadd.s32 s20, v3  }
0x82: {  	(v2sf) =	vpush v3, $0x0  }
0x83: {  	(v2sf) =	vpush v3, $0x1  }
0x84: {  	(v2sf) =	vpush v3, $0x2  }
0x85: {  	(v2sf) =	vpush v3, $0x3  }
0x86: {  	(v2sf) =	vpush v3, $0x4  }
0x87: {  	(v2sf) =	vpush v3, $0x5  }
0x88: {  	(v2sf) =	vpush v3, $0x6  }
0x89: {  	(v2sf) =	vpush v3, $0x7  }
0x8a: {  	(v2sf) =	vpush v3, $0x8  }
0x8b: {  	(v2sf) =	vpush v3, $0x9  }
0x8c: {  	(v2sf) =	vpush v3, $0xA  }
0x8d: {  	(v2sf) =	vpush v3, $0xB  }
0x8e: {  	(v2sf) =	vpush v3, $0xC  }
0x8f: {  	(v2sf) =	vpush v3, $0xD  }
0x90: {  	(v2sf) =	vpush v3, $0xE  }
0x91: {  	s19 =	spop (v2sf);
	(v2sf) =	vpush v3, $0xF  }
0x92: {  	[tilespmem:s19+$0x0] =	vst v0;
	s19 =	spop (v2sf)  }
0x93: {  	[tilespmem:s19+$0x0] =	vst v0;
	s19 =	spop (v2sf)  }
0x94: {  	[tilespmem:s19+$0x0] =	vst v0;
	s19 =	spop (v2sf)  }
0x95: {  	[tilespmem:s19+$0x0] =	vst v0;
	s19 =	spop (v2sf)  }
0x96: {  	[tilespmem:s19+$0x0] =	vst v0;
	s19 =	spop (v2sf)  }
0x97: {  	[tilespmem:s19+$0x0] =	vst v0;
	s19 =	spop (v2sf)  }
0x98: {  	[tilespmem:s19+$0x0] =	vst v0;
	s19 =	spop (v2sf)  }
0x99: {  	[tilespmem:s19+$0x0] =	vst v0;
	s19 =	spop (v2sf)  }
0x9a: {  	[tilespmem:s19+$0x0] =	vst v0;
	s19 =	spop (v2sf)  }
0x9b: {  	[tilespmem:s19+$0x0] =	vst v0;
	s19 =	spop (v2sf)  }
.Ltmp2:
0x9c: {  	[tilespmem:s19+$0x0] =	vst v0;
	s19 =	spop (v2sf);
	(pc) =	sbr.rel @p0 .LBB2_6-.Ltmp2, $4  }
0x9d: {  	[tilespmem:s19+$0x0] =	vst v0;
	s19 =	spop (v2sf)  }
0x9e: {  	[tilespmem:s19+$0x0] =	vst v0;
	s19 =	spop (v2sf)  }
0x9f: {  	[tilespmem:s19+$0x0] =	vst v0;
	s19 =	spop (v2sf)  }
0xa0: {  	[tilespmem:s19+$0x0] =	vst v0;
	s19 =	spop (v2sf)  }
0xa1: {  	_ =	sdelay $0x2  }
0xa2: {  	s17 =	sshra.s32 s17, $0x2;
	[tilespmem:s19+$0x0] =	vst v0  }
0xa3: {  	v2 =	vld.idx.msk [tilespmem:v2+s17+$0x0 ss:$0x1], $0xffff;
	_ =	sdelay $0x4  }
0xa4: {  	v2 =	vshll.u32 v2, $0x9  }
0xa5: {  	v2 =	vshra.s32 v2, $0x2  }
0xa6: {  	v2 =	vadd.s32 s17, v2  }
0xa7: {  	(v2sf) =	vpush v2, $0x0  }
0xa8: {  	(v2sf) =	vpush v2, $0x1  }
0xa9: {  	(v2sf) =	vpush v2, $0x2  }
0xaa: {  	(v2sf) =	vpush v2, $0x3  }
0xab: {  	(v2sf) =	vpush v2, $0x4  }
0xac: {  	(v2sf) =	vpush v2, $0x5  }
0xad: {  	(v2sf) =	vpush v2, $0x6  }
0xae: {  	(v2sf) =	vpush v2, $0x7  }
0xaf: {  	(v2sf) =	vpush v2, $0x8  }
0xb0: {  	(v2sf) =	vpush v2, $0x9  }
0xb1: {  	(v2sf) =	vpush v2, $0xA  }
0xb2: {  	(v2sf) =	vpush v2, $0xB  }
0xb3: {  	(v2sf) =	vpush v2, $0xC  }
0xb4: {  	(v2sf) =	vpush v2, $0xD  }
0xb5: {  	(v2sf) =	vpush v2, $0xE  }
0xb6: {  	s29 =	spop (v2sf);
	(v2sf) =	vpush v2, $0xF  }
0xb7: {  	[tilespmem:s29+$0x0] =	vst v0;
	s30 =	spop (v2sf)  }
0xb8: {  	[tilespmem:s30+$0x0] =	vst v0;
	s31 =	spop (v2sf)  }
0xb9: {  	[tilespmem:s31+$0x0] =	vst v0;
	s18 =	spop (v2sf)  }
0xba: {  	[tilespmem:s18+$0x0] =	vst v0;
	s19 =	spop (v2sf)  }
0xbb: {  	[tilespmem:s19+$0x0] =	vst v0;
	s20 =	spop (v2sf)  }
0xbc: {  	[tilespmem:s20+$0x0] =	vst v0;
	s21 =	spop (v2sf)  }
0xbd: {  	[tilespmem:s21+$0x0] =	vst v0;
	s22 =	spop (v2sf)  }
0xbe: {  	[tilespmem:s22+$0x0] =	vst v0;
	s23 =	spop (v2sf)  }
0xbf: {  	[tilespmem:s23+$0x0] =	vst v0;
	s24 =	spop (v2sf)  }
0xc0: {  	[tilespmem:s24+$0x0] =	vst v0;
	s25 =	spop (v2sf)  }
0xc1: {  	[tilespmem:s25+$0x0] =	vst v0;
	s26 =	spop (v2sf)  }
0xc2: {  	[tilespmem:s26+$0x0] =	vst v0;
	s28 =	spop (v2sf)  }
0xc3: {  	[tilespmem:s28+$0x0] =	vst v0;
	s29 =	spop (v2sf)  }
0xc4: {  	[tilespmem:s29+$0x0] =	vst v0;
	s30 =	spop (v2sf)  }
0xc5: {  	[tilespmem:s30+$0x0] =	vst v0;
	s31 =	spop (v2sf)  }
0xc6: {  	[tilespmem:s31+$0x0] =	vst v0  }
.LBB2_8:
0xc7: {  	s16 =	sor.u32 $0x1F400, s16  }
0xc8: {  	v2 =	vmov s16;
	_ =	sdelay $0x1  }
0xc9: {  	_ =	swait.ge [sflag:s9], $0x80  }
0xca: {  	[sflag:s9] =	ssyncset.done $0x0  }
0xcb: {  	s30 =	simm.s32 $0x0;
	[sflag:s9] =	ssyncadd.s32 $0xFFFFFF80  }
0xcc: {  	v3 =	vld.idx.msk [tilespmem:v2+s30+$0x0 ss:$0x1], $0xffff;
	_ =	sdelay $0x4  }
0xcd: {  	v3 =	vshll.u32 v3, $0x9  }
0xce: {  	v3 =	vshra.s32 v3, $0x2  }
0xcf: {  	v3 =	vadd.s32 s30, v3  }
0xd0: {  	(v2sf) =	vpush v3, $0x0;
	_ =	sdelay $0x6  }
0xd1: {  	(v2sf) =	vpush v3, $0x1;
	_ =	sdelay $0x6  }
0xd2: {  	(v2sf) =	vpush v3, $0x2  }
0xd3: {  	s31 =	spop (v2sf)  }
0xd4: {  	v4 =	vld [tilespmem:s31+$0x0];
	_ =	sdelay $0x3  }
0xd5: {  	vm0 =	veq.s32 v1, $0x0  }
0xd6: {  	(v2sf) =	vpush v3, $0x3;
	v4 =	vsel vm0, $0x41200000, v4  }
0xd7: {  	s17 =	spop (v2sf);
	[tilespmem:s31+$0x0] =	vst v4  }
0xd8: {  	v4 =	vld [tilespmem:s17+$0x0];
	_ =	sdelay $0x3  }
0xd9: {  	vm1 =	veq.s32 v1, $0x1  }
0xda: {  	(v2sf) =	vpush v3, $0x4;
	v4 =	vsel vm1, $0x41200000, v4  }
0xdb: {  	s18 =	spop (v2sf);
	[tilespmem:s17+$0x0] =	vst v4  }
0xdc: {  	v4 =	vld [tilespmem:s18+$0x0];
	_ =	sdelay $0x3  }
0xdd: {  	vm2 =	veq.s32 v1, $0x2  }
0xde: {  	(v2sf) =	vpush v3, $0x5;
	v4 =	vsel vm2, $0x41200000, v4  }
0xdf: {  	s19 =	spop (v2sf);
	[tilespmem:s18+$0x0] =	vst v4  }
0xe0: {  	v4 =	vld [tilespmem:s19+$0x0];
	_ =	sdelay $0x3  }
0xe1: {  	vm3 =	veq.s32 v1, $0x3  }
0xe2: {  	(v2sf) =	vpush v3, $0x6;
	v4 =	vsel vm3, $0x41200000, v4  }
0xe3: {  	s20 =	spop (v2sf);
	[tilespmem:s19+$0x0] =	vst v4  }
0xe4: {  	v4 =	vld [tilespmem:s20+$0x0];
	_ =	sdelay $0x3  }
0xe5: {  	vm4 =	veq.s32 v1, $0x4  }
0xe6: {  	(v2sf) =	vpush v3, $0x7;
	v4 =	vsel vm4, $0x41200000, v4  }
0xe7: {  	s21 =	spop (v2sf);
	[tilespmem:s20+$0x0] =	vst v4  }
0xe8: {  	v4 =	vld [tilespmem:s21+$0x0];
	_ =	sdelay $0x3  }
0xe9: {  	vm5 =	veq.s32 v1, $0x5  }
0xea: {  	(v2sf) =	vpush v3, $0x8;
	v4 =	vsel vm5, $0x41200000, v4  }
0xeb: {  	s22 =	spop (v2sf);
	[tilespmem:s21+$0x0] =	vst v4  }
0xec: {  	v4 =	vld [tilespmem:s22+$0x0];
	_ =	sdelay $0x3  }
0xed: {  	vm6 =	veq.s32 v1, $0x6  }
0xee: {  	(v2sf) =	vpush v3, $0x9;
	v4 =	vsel vm6, $0x41200000, v4  }
0xef: {  	s23 =	spop (v2sf);
	[tilespmem:s22+$0x0] =	vst v4  }
0xf0: {  	v4 =	vld [tilespmem:s23+$0x0];
	_ =	sdelay $0x3  }
0xf1: {  	vm7 =	veq.s32 v1, $0x7  }
0xf2: {  	(v2sf) =	vpush v3, $0xA;
	v4 =	vsel vm7, $0x41200000, v4  }
0xf3: {  	s24 =	spop (v2sf);
	[tilespmem:s23+$0x0] =	vst v4  }
0xf4: {  	v4 =	vld [tilespmem:s24+$0x0];
	_ =	sdelay $0x3  }
0xf5: {  	vm8 =	veq.s32 v1, $0x8  }
0xf6: {  	(v2sf) =	vpush v3, $0xB;
	v4 =	vsel vm8, $0x41200000, v4  }
0xf7: {  	s25 =	spop (v2sf);
	[tilespmem:s24+$0x0] =	vst v4  }
0xf8: {  	v4 =	vld [tilespmem:s25+$0x0];
	_ =	sdelay $0x3  }
0xf9: {  	vm9 =	veq.s32 v1, $0x9  }
0xfa: {  	(v2sf) =	vpush v3, $0xC;
	v4 =	vsel vm9, $0x41200000, v4  }
0xfb: {  	s26 =	spop (v2sf);
	[tilespmem:s25+$0x0] =	vst v4  }
0xfc: {  	v4 =	vld [tilespmem:s26+$0x0];
	_ =	sdelay $0x3  }
0xfd: {  	vm10 =	veq.s32 v1, $0xA  }
0xfe: {  	(v2sf) =	vpush v3, $0xD;
	v4 =	vsel vm10, $0x41200000, v4  }
0xff: {  	s28 =	spop (v2sf);
	[tilespmem:s26+$0x0] =	vst v4  }
0x100: {  	v4 =	vld [tilespmem:s28+$0x0];
	_ =	sdelay $0x3  }
0x101: {  	vm11 =	veq.s32 v1, $0xB  }
0x102: {  	(v2sf) =	vpush v3, $0xE;
	v4 =	vsel vm11, $0x41200000, v4  }
0x103: {  	s29 =	spop (v2sf);
	[tilespmem:s28+$0x0] =	vst v4  }
0x104: {  	v4 =	vld [tilespmem:s29+$0x0];
	_ =	sdelay $0x3  }
0x105: {  	vm12 =	veq.s32 v1, $0xC  }
0x106: {  	(v2sf) =	vpush v3, $0xF;
	v4 =	vsel vm12, $0x41200000, v4  }
0x107: {  	s30 =	spop (v2sf);
	[tilespmem:s29+$0x0] =	vst v4  }
0x108: {  	v3 =	vld [tilespmem:s30+$0x0];
	_ =	sdelay $0x3  }
0x109: {  	vm13 =	veq.s32 v1, $0xD  }
0x10a: {  	v3 =	vsel vm13, $0x41200000, v3  }
0x10b: {  	s31 =	spop (v2sf);
	[tilespmem:s30+$0x0] =	vst v3  }
0x10c: {  	v3 =	vld [tilespmem:s31+$0x0];
	_ =	sdelay $0x3  }
0x10d: {  	vm14 =	veq.s32 v1, $0xE  }
0x10e: {  	v3 =	vsel vm14, $0x41200000, v3  }
0x10f: {  	s18 =	spop (v2sf);
	[tilespmem:s31+$0x0] =	vst v3  }
0x110: {  	v3 =	vld [tilespmem:s18+$0x0];
	_ =	sdelay $0x3  }
0x111: {  	vm15 =	veq.s32 v1, $0xF  }
0x112: {  	s16 =	simm.s32 $0x40;
	s17 =	simm.s32 $0x80;
	v3 =	vsel vm15, $0x41200000, v3  }
.LBB2_9:
0x113: {  	p0 =	sne.s32 s17, $0x1C0  }
0x114: {  	s19 =	sshra.s32 s16, $0x2;
	[tilespmem:s18+$0x0] =	vst v3;
	s16 =	smov.u32 s17;
	s17 =	sadd.s32 $0x40, s17  }
0x115: {  	v3 =	vld.idx.msk [tilespmem:v2+s19+$0x0 ss:$0x1], $0xffff;
	_ =	sdelay $0x5  }
0x116: {  	v3 =	vshll.u32 v3, $0x9  }
0x117: {  	v3 =	vshra.s32 v3, $0x2  }
0x118: {  	v3 =	vadd.s32 s19, v3  }
0x119: {  	(v2sf) =	vpush v3, $0x0;
	_ =	sdelay $0x6  }
0x11a: {  	(v2sf) =	vpush v3, $0x1;
	_ =	sdelay $0x6  }
0x11b: {  	(v2sf) =	vpush v3, $0x2  }
0x11c: {  	s18 =	spop (v2sf)  }
0x11d: {  	v4 =	vld [tilespmem:s18+$0x0];
	_ =	sdelay $0x4  }
0x11e: {  	v4 =	vsel vm0, $0x41200000, v4;
	(v2sf) =	vpush v3, $0x3  }
0x11f: {  	[tilespmem:s18+$0x0] =	vst v4;
	s18 =	spop (v2sf)  }
0x120: {  	v4 =	vld [tilespmem:s18+$0x0];
	_ =	sdelay $0x4  }
0x121: {  	v4 =	vsel vm1, $0x41200000, v4;
	(v2sf) =	vpush v3, $0x4  }
0x122: {  	[tilespmem:s18+$0x0] =	vst v4;
	s18 =	spop (v2sf)  }
0x123: {  	v4 =	vld [tilespmem:s18+$0x0];
	_ =	sdelay $0x4  }
0x124: {  	v4 =	vsel vm2, $0x41200000, v4;
	(v2sf) =	vpush v3, $0x5  }
0x125: {  	[tilespmem:s18+$0x0] =	vst v4;
	s18 =	spop (v2sf)  }
0x126: {  	v4 =	vld [tilespmem:s18+$0x0];
	_ =	sdelay $0x4  }
0x127: {  	v4 =	vsel vm3, $0x41200000, v4;
	(v2sf) =	vpush v3, $0x6  }
0x128: {  	[tilespmem:s18+$0x0] =	vst v4;
	s18 =	spop (v2sf)  }
0x129: {  	v4 =	vld [tilespmem:s18+$0x0];
	_ =	sdelay $0x4  }
0x12a: {  	v4 =	vsel vm4, $0x41200000, v4;
	(v2sf) =	vpush v3, $0x7  }
0x12b: {  	[tilespmem:s18+$0x0] =	vst v4;
	s18 =	spop (v2sf)  }
0x12c: {  	v4 =	vld [tilespmem:s18+$0x0];
	_ =	sdelay $0x4  }
0x12d: {  	v4 =	vsel vm5, $0x41200000, v4;
	(v2sf) =	vpush v3, $0x8  }
0x12e: {  	[tilespmem:s18+$0x0] =	vst v4;
	s18 =	spop (v2sf)  }
0x12f: {  	v4 =	vld [tilespmem:s18+$0x0];
	_ =	sdelay $0x4  }
0x130: {  	v4 =	vsel vm6, $0x41200000, v4;
	(v2sf) =	vpush v3, $0x9  }
0x131: {  	[tilespmem:s18+$0x0] =	vst v4;
	s18 =	spop (v2sf)  }
0x132: {  	v4 =	vld [tilespmem:s18+$0x0];
	_ =	sdelay $0x4  }
0x133: {  	v4 =	vsel vm7, $0x41200000, v4;
	(v2sf) =	vpush v3, $0xA  }
0x134: {  	[tilespmem:s18+$0x0] =	vst v4;
	s18 =	spop (v2sf)  }
0x135: {  	v4 =	vld [tilespmem:s18+$0x0];
	_ =	sdelay $0x4  }
0x136: {  	v4 =	vsel vm8, $0x41200000, v4;
	(v2sf) =	vpush v3, $0xB  }
0x137: {  	[tilespmem:s18+$0x0] =	vst v4;
	s18 =	spop (v2sf)  }
0x138: {  	v4 =	vld [tilespmem:s18+$0x0];
	_ =	sdelay $0x4  }
0x139: {  	v4 =	vsel vm9, $0x41200000, v4;
	(v2sf) =	vpush v3, $0xC  }
0x13a: {  	[tilespmem:s18+$0x0] =	vst v4;
	s18 =	spop (v2sf)  }
0x13b: {  	v4 =	vld [tilespmem:s18+$0x0];
	_ =	sdelay $0x4  }
0x13c: {  	v4 =	vsel vm10, $0x41200000, v4;
	(v2sf) =	vpush v3, $0xD  }
0x13d: {  	[tilespmem:s18+$0x0] =	vst v4;
	s18 =	spop (v2sf)  }
0x13e: {  	v4 =	vld [tilespmem:s18+$0x0];
	_ =	sdelay $0x4  }
0x13f: {  	v4 =	vsel vm11, $0x41200000, v4;
	(v2sf) =	vpush v3, $0xE  }
0x140: {  	[tilespmem:s18+$0x0] =	vst v4;
	s18 =	spop (v2sf)  }
0x141: {  	v4 =	vld [tilespmem:s18+$0x0];
	_ =	sdelay $0x4  }
0x142: {  	v4 =	vsel vm12, $0x41200000, v4;
	(v2sf) =	vpush v3, $0xF  }
0x143: {  	[tilespmem:s18+$0x0] =	vst v4;
	s18 =	spop (v2sf)  }
0x144: {  	v3 =	vld [tilespmem:s18+$0x0];
	_ =	sdelay $0x4  }
0x145: {  	v3 =	vsel vm13, $0x41200000, v3  }
0x146: {  	[tilespmem:s18+$0x0] =	vst v3;
	s18 =	spop (v2sf)  }
0x147: {  	v3 =	vld [tilespmem:s18+$0x0];
	_ =	sdelay $0x4  }
0x148: {  	v3 =	vsel vm14, $0x41200000, v3  }
0x149: {  	[tilespmem:s18+$0x0] =	vst v3;
	s18 =	spop (v2sf)  }
0x14a: {  	v3 =	vld [tilespmem:s18+$0x0]  }
.Ltmp3:
0x14b: {  	(pc) =	sbr.rel @p0 .LBB2_9-.Ltmp3, $2  }
0x14c: {  	_ =	sdelay $0x2  }
0x14d: {  	v3 =	vsel vm15, $0x41200000, v3  }
0x14e: {  	_ =	sdelay $0x2  }
0x14f: {  	s16 =	sshra.s32 s16, $0x2;
	[tilespmem:s18+$0x0] =	vst v3  }
0x150: {  	v2 =	vld.idx.msk [tilespmem:v2+s16+$0x0 ss:$0x1], $0xffff;
	_ =	sdelay $0x4  }
0x151: {  	v2 =	vshll.u32 v2, $0x9  }
0x152: {  	v2 =	vshra.s32 v2, $0x2  }
0x153: {  	v2 =	vadd.s32 s16, v2  }
0x154: {  	(v2sf) =	vpush v2, $0x0;
	_ =	sdelay $0x6  }
0x155: {  	(v2sf) =	vpush v2, $0x1;
	_ =	sdelay $0x6  }
0x156: {  	(v2sf) =	vpush v2, $0x2  }
0x157: {  	s30 =	spop (v2sf)  }
0x158: {  	v3 =	vld [tilespmem:s30+$0x0];
	_ =	sdelay $0x3  }
0x159: {  	vm0 =	veq.s32 v1, $0x0  }
0x15a: {  	(v2sf) =	vpush v2, $0x3;
	v3 =	vsel vm0, $0x41200000, v3  }
0x15b: {  	s31 =	spop (v2sf);
	[tilespmem:s30+$0x0] =	vst v3  }
0x15c: {  	v3 =	vld [tilespmem:s31+$0x0];
	_ =	sdelay $0x3  }
0x15d: {  	vm13 =	veq.s32 v1, $0x1  }
0x15e: {  	(v2sf) =	vpush v2, $0x4;
	v3 =	vsel vm13, $0x41200000, v3  }
0x15f: {  	s17 =	spop (v2sf);
	[tilespmem:s31+$0x0] =	vst v3  }
0x160: {  	v3 =	vld [tilespmem:s17+$0x0];
	_ =	sdelay $0x3  }
0x161: {  	vm14 =	veq.s32 v1, $0x2  }
0x162: {  	(v2sf) =	vpush v2, $0x5;
	v3 =	vsel vm14, $0x41200000, v3  }
0x163: {  	s18 =	spop (v2sf);
	[tilespmem:s17+$0x0] =	vst v3  }
0x164: {  	v3 =	vld [tilespmem:s18+$0x0];
	_ =	sdelay $0x3  }
0x165: {  	vm15 =	veq.s32 v1, $0x3  }
0x166: {  	(v2sf) =	vpush v2, $0x6;
	v3 =	vsel vm15, $0x41200000, v3  }
0x167: {  	s19 =	spop (v2sf);
	[tilespmem:s18+$0x0] =	vst v3  }
0x168: {  	v3 =	vld [tilespmem:s19+$0x0];
	_ =	sdelay $0x3  }
0x169: {  	vm4 =	veq.s32 v1, $0x4  }
0x16a: {  	(v2sf) =	vpush v2, $0x7;
	v3 =	vsel vm4, $0x41200000, v3  }
0x16b: {  	s20 =	spop (v2sf);
	[tilespmem:s19+$0x0] =	vst v3  }
0x16c: {  	v3 =	vld [tilespmem:s20+$0x0];
	_ =	sdelay $0x3  }
0x16d: {  	vm5 =	veq.s32 v1, $0x5  }
0x16e: {  	(v2sf) =	vpush v2, $0x8;
	v3 =	vsel vm5, $0x41200000, v3  }
0x16f: {  	s21 =	spop (v2sf);
	[tilespmem:s20+$0x0] =	vst v3  }
0x170: {  	v3 =	vld [tilespmem:s21+$0x0];
	_ =	sdelay $0x3  }
0x171: {  	vm6 =	veq.s32 v1, $0x6  }
0x172: {  	(v2sf) =	vpush v2, $0x9;
	v3 =	vsel vm6, $0x41200000, v3  }
0x173: {  	s22 =	spop (v2sf);
	[tilespmem:s21+$0x0] =	vst v3  }
0x174: {  	v3 =	vld [tilespmem:s22+$0x0];
	_ =	sdelay $0x3  }
0x175: {  	vm7 =	veq.s32 v1, $0x7  }
0x176: {  	(v2sf) =	vpush v2, $0xA;
	v3 =	vsel vm7, $0x41200000, v3  }
0x177: {  	s23 =	spop (v2sf);
	[tilespmem:s22+$0x0] =	vst v3  }
0x178: {  	v3 =	vld [tilespmem:s23+$0x0];
	_ =	sdelay $0x3  }
0x179: {  	vm8 =	veq.s32 v1, $0x8  }
0x17a: {  	(v2sf) =	vpush v2, $0xB;
	v3 =	vsel vm8, $0x41200000, v3  }
0x17b: {  	s24 =	spop (v2sf);
	[tilespmem:s23+$0x0] =	vst v3  }
0x17c: {  	v3 =	vld [tilespmem:s24+$0x0];
	_ =	sdelay $0x3  }
0x17d: {  	vm9 =	veq.s32 v1, $0x9  }
0x17e: {  	(v2sf) =	vpush v2, $0xC;
	v3 =	vsel vm9, $0x41200000, v3  }
0x17f: {  	s25 =	spop (v2sf);
	[tilespmem:s24+$0x0] =	vst v3  }
0x180: {  	v3 =	vld [tilespmem:s25+$0x0];
	_ =	sdelay $0x3  }
0x181: {  	vm10 =	veq.s32 v1, $0xA  }
0x182: {  	(v2sf) =	vpush v2, $0xD;
	v3 =	vsel vm10, $0x41200000, v3  }
0x183: {  	s26 =	spop (v2sf);
	[tilespmem:s25+$0x0] =	vst v3  }
0x184: {  	v3 =	vld [tilespmem:s26+$0x0];
	_ =	sdelay $0x3  }
0x185: {  	vm11 =	veq.s32 v1, $0xB  }
0x186: {  	(v2sf) =	vpush v2, $0xE;
	v3 =	vsel vm11, $0x41200000, v3  }
0x187: {  	s28 =	spop (v2sf);
	[tilespmem:s26+$0x0] =	vst v3  }
0x188: {  	v3 =	vld [tilespmem:s28+$0x0];
	_ =	sdelay $0x3  }
0x189: {  	vm12 =	veq.s32 v1, $0xC  }
0x18a: {  	(v2sf) =	vpush v2, $0xF;
	v3 =	vsel vm12, $0x41200000, v3  }
0x18b: {  	s29 =	spop (v2sf);
	[tilespmem:s28+$0x0] =	vst v3  }
0x18c: {  	v2 =	vld [tilespmem:s29+$0x0];
	_ =	sdelay $0x3  }
0x18d: {  	vm13 =	veq.s32 v1, $0xD  }
0x18e: {  	v2 =	vsel vm13, $0x41200000, v2  }
0x18f: {  	s30 =	spop (v2sf);
	[tilespmem:s29+$0x0] =	vst v2  }
0x190: {  	v2 =	vld [tilespmem:s30+$0x0];
	_ =	sdelay $0x3  }
0x191: {  	vm14 =	veq.s32 v1, $0xE  }
0x192: {  	v2 =	vsel vm14, $0x41200000, v2  }
0x193: {  	s31 =	spop (v2sf);
	[tilespmem:s30+$0x0] =	vst v2  }
0x194: {  	v2 =	vld [tilespmem:s31+$0x0];
	_ =	sdelay $0x3  }
0x195: {  	vm15 =	veq.s32 v1, $0xF  }
0x196: {  	p0 =	seq.s32 s14, $0x3;
	v2 =	vsel vm15, $0x41200000, v2  }
0x197: {  	s15 =	sadd.s32 s15, s6;
	s14 =	sadd.s32 @!p0 $0x1, s14;
	[tilespmem:s31+$0x0] =	vst v2  }
0x198: {  	[hbm4b:s15+s10] =	stream.strided.scatter [tilespmem:s2], [sflag:$0x1], $0x1F400, s11, s10, $0x38;
	[tilespmem:$0x1F500] =	vst v63  }
0x199: {  	s15 =	sshll.u32 @!p0 s14, $0x7  }
0x19a: {  	s16 =	sadd.s32 @!p0 s3, s15  }
0x19b: {  	p1 =	sne.s32 @!p0 s14, $0x4;
	s15 =	sand.u32 @!p0 $0x80, s15;
	s16 =	sshrl.u32 @!p0 s16, $0x3  }
0x19c: {  	s17 =	simm.s32 @!p0 $0x0;
	s15 =	sor.u32 @!p0 $0x1F400, s15;
	s16 =	sadd.s32 @!p0 s4, s16  }
0x19d: {  	[tilespmem:s15], [sflag:$0x2] =	stream.linear.gather @!p0 [hbm4b:s16+s17], $0x80, $0x38;
	[tilespmem:$0x1F500] =	vst v63  }
0x19e: {  	p0 =	por p0, !p1  }
.Ltmp4:
0x19f: {  	_ = 	snop;
	(pc) =	sbr.rel @!p0 .LBB2_4-.Ltmp4, $1  }
0x1a0: {  	_ =	sdelay $0x3  }
0x1a1: {  	s13 =	sadd.s32 $0x1, s13  }
0x1a2: {  	p0 =	sne.s32 s13, s7  }
.Ltmp5:
0x1a3: {  	_ = 	snop;
	(pc) =	sbr.rel @p0 .LBB2_1-.Ltmp5, $4  }
0x1a4: {  	_ = 	snop  }
0x1a5: {  	_ =	swait.ge [sflag:s12], $0x1F400  }
0x1a6: {  	[sflag:s12] =	ssyncset.done $0x0  }
0x1a7: {  	[sflag:s12] =	ssyncadd.s32 $0xFFFE0C00  }
0x1a8: {  	_ =	sfence.sel $0x180000  }
0x1a9: {  	[bflag:$0x0] =	sbarrier.arrive $0xFFFF  }
0x1aa: {  	p0 =	sne.s32 s1, $0x0;
	_ =	strace $0x90000047  }
0x1ab: {  	s0 =	sadd.s32 @!p0 $0x100000, s0;
	[bflag:$0x2] =	sbarrier.arrive $0xFFFF  }
0x1ac: {  	[sflag:s0] =	ssyncadd.tile.s32 @!p0 $0x1;
	_ =	shalt  }
.Lfunc_end2:
_tile_overlayer_lowered:
.L_overlay_start_2:
0x1ad: {  	(tag) =	ssettag $0x2  }
0x1ae: {  	s0 =	rddreg [dreg:$0x0];
	s2 =	stileid.u32  }
0x1af: {  	s1 =	rddreg [dreg:$0x1];
	p0 =	sne.s32 s2, $0x0  }
0x1b0: {  	s3 =	rddreg [dreg:$0x2];
	[bflag:$0x3] =	sbarrier.arrive $0xFFFF;
	s2 =	simm.s32 @!p0 $0x1C03  }
0x1b1: {  	[timem:s3], [sflag:s2] =	dma.local @!p0 [hbm:s0], s1  }
0x1b2: {  	s0 =	simm.s32 @!p0 $0x3  }
0x1b3: {  	_ =	swait.ge @!p0 [sflag:s0], s1  }
0x1b4: {  	s1 =	ssub.s32 @!p0 $0x0, s1;
	[sflag:s0] =	ssyncset.done @!p0 $0x0  }
0x1b5: {  	[sflag:s0] =	ssyncadd.s32 @!p0 s1  }
0x1b6: {  	[bflag:$0x3] =	sbarrier.arrive $0xFFFF  }
0x1b7: {  	_ =	shalt  }

</sc_bundles>
